<compile_context>
chip_gen: v7x
topology: tpu7x:2x2x1
jax: 0.10.2.dev20260603
libtpu: 0.0.44.dev20260713+nightly
codegen_flags: <defaults>
</compile_context>

<pallas_src>
import functools

import jax
import jax.numpy as jnp
from jax import lax
from jax.experimental import pallas as pl
from jax.experimental.pallas import tpu as pltpu
from jax.experimental.pallas import tpu_sc as plsc

_NC = 2
_NS = 16
_NW = _NC * _NS

_C = 32
_NB = 4


@functools.lru_cache(maxsize=None)
def _build(bsz, seq, vocab, dim):
    assert bsz == _NW and seq % _C == 0
    n_chunks = seq // _C

    mesh = plsc.VectorSubcoreMesh(core_axis_name="c", subcore_axis_name="s")

    @functools.partial(
        pl.kernel,
        mesh=mesh,
        out_type=jax.ShapeDtypeStruct((bsz, seq, dim), jnp.float32),
        scratch_types=[
            pltpu.VMEM((seq,), jnp.int32),
            pltpu.VMEM((_NB * _C, dim), jnp.float32),
        ] + [pltpu.SemaphoreType.DMA] * (2 * _NB),
    )
    def gather_kernel(table_hbm, tok_hbm, out_hbm, idx_v, bufs, *sems):
        wid = lax.axis_index("s") * _NC + lax.axis_index("c")
        gsems = sems[:_NB]
        osems = sems[_NB:]

        pltpu.sync_copy(tok_hbm.at[wid], idx_v)

        ghandles = [None] * n_chunks
        ohandles = [None] * n_chunks

        def start_gather(c):
            b = c % _NB
            ghandles[c] = pltpu.async_copy(
                table_hbm.at[idx_v.at[pl.ds(c * _C, _C)]],
                bufs.at[pl.ds(b * _C, _C)],
                gsems[b],
            )

        for c in range(_NB):
            start_gather(c)

        for c in range(n_chunks):
            b = c % _NB
            ghandles[c].wait()
            ohandles[c] = pltpu.async_copy(
                bufs.at[pl.ds(b * _C, _C)],
                out_hbm.at[wid, pl.ds(c * _C, _C)],
                osems[b],
            )
            nc = c + _NB
            if nc < n_chunks:
                ohandles[c].wait()
                start_gather(nc)

        for c in range(n_chunks - _NB, n_chunks):
            if ohandles[c] is not None:
                ohandles[c].wait()

    return gather_kernel


def kernel(tokens, table):
    bsz, seq = tokens.shape
    vocab, dim = table.shape
    return _build(bsz, seq, vocab, dim)(table, tokens)

# --- scband reference (transcript-rebuilt; emitter-appended) ---
"""Pipeline reference for scband-bert-vocab-embedding-13958643712093 (READ-ONLY COPY).

The authoritative reference and input builder live on the scoring server;
editing this copy changes nothing except your own understanding.
"""

import jax, jax.numpy as jnp
import numpy as np

VOCAB = 30522
DIM = 768
B, L = 32, 512


def setup_inputs(seed: int = 0) -> dict:
    key = jax.random.key(seed)
    k1, k2 = jax.random.split(key)
    tokens = jax.random.randint(k1, (B, L), 0, VOCAB, dtype=jnp.int32)
    table = jax.random.normal(k2, (VOCAB, DIM), dtype=jnp.float32) * 0.02
    return {"tokens": tokens, "table": table}


def reference(tokens, table):
    # nn.Embedding lookup: gather rows of the word-embedding table by token id
    return jnp.take(table, tokens, axis=0)

if __name__ == "__main__":
    import jax
    _d = setup_inputs()
    print(jax.jit(kernel)(*tuple(_d.values())))

</pallas_src>

<mosaic_0001>
#map = affine_map<(d0, d1) -> (0, 0)>
#map1 = affine_map<(d0, d1) -> (0, 0, 0)>
module attributes {stable_mosaic.version = 14 : i64} {
  func.func @gather_kernel(%arg0: i32, %arg1: i32, %arg2: memref<30522x768xf32, #tpu.memory_space<hbm>>, %arg3: memref<32x512xi32, #tpu.memory_space<hbm>>, %arg4: memref<32x512x768xf32, #tpu.memory_space<hbm>>, %arg5: memref<512xi32, #tpu.memory_space<vmem>>, %arg6: memref<128x768xf32, #tpu.memory_space<vmem>>, %arg7: memref<!tpu.dma_semaphore, #tpu.memory_space<semaphore_mem>>, %arg8: memref<!tpu.dma_semaphore, #tpu.memory_space<semaphore_mem>>, %arg9: memref<!tpu.dma_semaphore, #tpu.memory_space<semaphore_mem>>, %arg10: memref<!tpu.dma_semaphore, #tpu.memory_space<semaphore_mem>>, %arg11: memref<!tpu.dma_semaphore, #tpu.memory_space<semaphore_mem>>, %arg12: memref<!tpu.dma_semaphore, #tpu.memory_space<semaphore_mem>>, %arg13: memref<!tpu.dma_semaphore, #tpu.memory_space<semaphore_mem>>, %arg14: memref<!tpu.dma_semaphore, #tpu.memory_space<semaphore_mem>>) attributes {dimension_semantics = [#tpu.dimension_semantics<core_parallel>, #tpu.dimension_semantics<subcore_parallel>], iteration_bounds = array<i64: 2, 16>, scalar_prefetch = 0 : i64, scratch_operands = 10 : i64, tpu.core_type = #tpu.core_type<sc_vector_subcore>, window_params = [{transform_indices = #map}, {transform_indices = #map}, {transform_indices = #map1}]} {
    %mul3A = arith.constant 2 : i32
    %mul3A_0 = arith.muli %arg1, %mul3A : i32
    %add3A = arith.addi %mul3A_0, %arg0 : i32
    "tpu.region"() ({
      %run_scoped3A = tpu.sem_alloc : memref<!tpu.dma_semaphore, #tpu.memory_space<semaphore_mem>>
      %dma_start3A_703 = arith.constant 0 : i32
      %dma_start3A_704 = tpu.memref_slice %arg3[%add3A, %dma_start3A_703] : memref<32x512xi32, #tpu.memory_space<hbm>> -> memref<1x512xi32, #tpu.memory_space<hbm>>
      %dma_start3A_705 = tpu.memref_squeeze %dma_start3A_704 : memref<1x512xi32, #tpu.memory_space<hbm>> -> memref<512xi32, #tpu.memory_space<hbm>>
      %dma_start3A_706 = arith.constant 0 : i32
      %dma_start3A_707 = tpu.memref_slice %arg3[%add3A, %dma_start3A_706] : memref<32x512xi32, #tpu.memory_space<hbm>> -> memref<1x512xi32, #tpu.memory_space<hbm>>
      %dma_start3A_708 = tpu.memref_squeeze %dma_start3A_707 : memref<1x512xi32, #tpu.memory_space<hbm>> -> memref<512xi32, #tpu.memory_space<hbm>>
      tpu.enqueue_dma source(%dma_start3A_708 : memref<512xi32, #tpu.memory_space<hbm>>) target(%arg5 : memref<512xi32, #tpu.memory_space<vmem>>) target_semaphore(%run_scoped3A : memref<!tpu.dma_semaphore, #tpu.memory_space<semaphore_mem>>)
      %dma_wait3A_709 = arith.constant 0 : i32
      %dma_wait3A_710 = tpu.memref_slice %arg3[%add3A, %dma_wait3A_709] : memref<32x512xi32, #tpu.memory_space<hbm>> -> memref<1x512xi32, #tpu.memory_space<hbm>>
      %dma_wait3A_711 = tpu.memref_squeeze %dma_wait3A_710 : memref<1x512xi32, #tpu.memory_space<hbm>> -> memref<512xi32, #tpu.memory_space<hbm>>
      %dma_wait3A_712 = arith.constant 0 : i32
      %dma_wait3A_713 = tpu.memref_slice %arg3[%add3A, %dma_wait3A_712] : memref<32x512xi32, #tpu.memory_space<hbm>> -> memref<1x512xi32, #tpu.memory_space<hbm>>
      %dma_wait3A_714 = tpu.memref_squeeze %dma_wait3A_713 : memref<1x512xi32, #tpu.memory_space<hbm>> -> memref<512xi32, #tpu.memory_space<hbm>>
      tpu.wait_dma2 semaphore(%run_scoped3A : memref<!tpu.dma_semaphore, #tpu.memory_space<semaphore_mem>>) src(%dma_wait3A_714 : memref<512xi32, #tpu.memory_space<hbm>>) dst(%arg5 : memref<512xi32, #tpu.memory_space<vmem>>)
      tpu.yield
    }) : () -> ()
    %dma_start3A = arith.constant 0 : i32
    %dma_start3A_1 = arith.constant 0 : i32
    %dma_start3A_2 = tpu.memref_slice %arg6[%dma_start3A, %dma_start3A_1] : memref<128x768xf32, #tpu.memory_space<vmem>> -> memref<32x768xf32, #tpu.memory_space<vmem>>
    %dma_start3A_3 = arith.constant 0 : i32
    %dma_start3A_4 = tpu.memref_slice %arg5[%dma_start3A_3] : memref<512xi32, #tpu.memory_space<vmem>> -> memref<32xi32, #tpu.memory_space<vmem>>
    %dma_start3A_5 = arith.constant 0 : i32
    %dma_start3A_6 = arith.constant 0 : i32
    %dma_start3A_7 = tpu.memref_slice %arg2[%dma_start3A_5, %dma_start3A_6] : memref<30522x768xf32, #tpu.memory_space<hbm>> -> memref<30522x768xf32, #tpu.memory_space<hbm>>
    tpu.enqueue_indirect_dma source(%dma_start3A_7 : memref<30522x768xf32, #tpu.memory_space<hbm>>) target(%dma_start3A_2 : memref<32x768xf32, #tpu.memory_space<vmem>>) offsets(%dma_start3A_4 : memref<32xi32, #tpu.memory_space<vmem>>) semaphore(%arg7 : memref<!tpu.dma_semaphore, #tpu.memory_space<semaphore_mem>>)
    %dma_start3A_8 = arith.constant 32 : i32
    %dma_start3A_9 = arith.constant 0 : i32
    %dma_start3A_10 = tpu.memref_slice %arg6[%dma_start3A_8, %dma_start3A_9] : memref<128x768xf32, #tpu.memory_space<vmem>> -> memref<32x768xf32, #tpu.memory_space<vmem>>
    %dma_start3A_11 = arith.constant 32 : i32
    %dma_start3A_12 = tpu.memref_slice %arg5[%dma_start3A_11] : memref<512xi32, #tpu.memory_space<vmem>> -> memref<32xi32, #tpu.memory_space<vmem>>
    %dma_start3A_13 = arith.constant 0 : i32
    %dma_start3A_14 = arith.constant 0 : i32
    %dma_start3A_15 = tpu.memref_slice %arg2[%dma_start3A_13, %dma_start3A_14] : memref<30522x768xf32, #tpu.memory_space<hbm>> -> memref<30522x768xf32, #tpu.memory_space<hbm>>
    tpu.enqueue_indirect_dma source(%dma_start3A_15 : memref<30522x768xf32, #tpu.memory_space<hbm>>) target(%dma_start3A_10 : memref<32x768xf32, #tpu.memory_space<vmem>>) offsets(%dma_start3A_12 : memref<32xi32, #tpu.memory_space<vmem>>) semaphore(%arg8 : memref<!tpu.dma_semaphore, #tpu.memory_space<semaphore_mem>>)
    %dma_start3A_16 = arith.constant 64 : i32
    %dma_start3A_17 = arith.constant 0 : i32
    %dma_start3A_18 = tpu.memref_slice %arg6[%dma_start3A_16, %dma_start3A_17] : memref<128x768xf32, #tpu.memory_space<vmem>> -> memref<32x768xf32, #tpu.memory_space<vmem>>
    %dma_start3A_19 = arith.constant 64 : i32
    %dma_start3A_20 = tpu.memref_slice %arg5[%dma_start3A_19] : memref<512xi32, #tpu.memory_space<vmem>> -> memref<32xi32, #tpu.memory_space<vmem>>
    %dma_start3A_21 = arith.constant 0 : i32
    %dma_start3A_22 = arith.constant 0 : i32
    %dma_start3A_23 = tpu.memref_slice %arg2[%dma_start3A_21, %dma_start3A_22] : memref<30522x768xf32, #tpu.memory_space<hbm>> -> memref<30522x768xf32, #tpu.memory_space<hbm>>
    tpu.enqueue_indirect_dma source(%dma_start3A_23 : memref<30522x768xf32, #tpu.memory_space<hbm>>) target(%dma_start3A_18 : memref<32x768xf32, #tpu.memory_space<vmem>>) offsets(%dma_start3A_20 : memref<32xi32, #tpu.memory_space<vmem>>) semaphore(%arg9 : memref<!tpu.dma_semaphore, #tpu.memory_space<semaphore_mem>>)
    %dma_start3A_24 = arith.constant 96 : i32
    %dma_start3A_25 = arith.constant 0 : i32
    %dma_start3A_26 = tpu.memref_slice %arg6[%dma_start3A_24, %dma_start3A_25] : memref<128x768xf32, #tpu.memory_space<vmem>> -> memref<32x768xf32, #tpu.memory_space<vmem>>
    %dma_start3A_27 = arith.constant 96 : i32
    %dma_start3A_28 = tpu.memref_slice %arg5[%dma_start3A_27] : memref<512xi32, #tpu.memory_space<vmem>> -> memref<32xi32, #tpu.memory_space<vmem>>
    %dma_start3A_29 = arith.constant 0 : i32
    %dma_start3A_30 = arith.constant 0 : i32
    %dma_start3A_31 = tpu.memref_slice %arg2[%dma_start3A_29, %dma_start3A_30] : memref<30522x768xf32, #tpu.memory_space<hbm>> -> memref<30522x768xf32, #tpu.memory_space<hbm>>
    tpu.enqueue_indirect_dma source(%dma_start3A_31 : memref<30522x768xf32, #tpu.memory_space<hbm>>) target(%dma_start3A_26 : memref<32x768xf32, #tpu.memory_space<vmem>>) offsets(%dma_start3A_28 : memref<32xi32, #tpu.memory_space<vmem>>) semaphore(%arg10 : memref<!tpu.dma_semaphore, #tpu.memory_space<semaphore_mem>>)
    %dma_wait3A = arith.constant 0 : i32
    %dma_wait3A_32 = arith.constant 0 : i32
    %dma_wait3A_33 = tpu.memref_slice %arg6[%dma_wait3A, %dma_wait3A_32] : memref<128x768xf32, #tpu.memory_space<vmem>> -> memref<32x768xf32, #tpu.memory_space<vmem>>
    %dma_wait3A_34 = arith.constant 0 : i32
    %dma_wait3A_35 = tpu.memref_slice %arg5[%dma_wait3A_34] : memref<512xi32, #tpu.memory_space<vmem>> -> memref<32xi32, #tpu.memory_space<vmem>>
    %dma_wait3A_36 = arith.constant 0 : i32
    %dma_wait3A_37 = arith.constant 0 : i32
    %dma_wait3A_38 = tpu.memref_slice %arg2[%dma_wait3A_36, %dma_wait3A_37] : memref<30522x768xf32, #tpu.memory_space<hbm>> -> memref<30522x768xf32, #tpu.memory_space<hbm>>
    tpu.wait_indirect_dma semaphore(%arg7 : memref<!tpu.dma_semaphore, #tpu.memory_space<semaphore_mem>>) src(%dma_wait3A_38 : memref<30522x768xf32, #tpu.memory_space<hbm>>) dst(%dma_wait3A_33 : memref<32x768xf32, #tpu.memory_space<vmem>>)
    %dma_start3A_39 = arith.constant 0 : i32
    %dma_start3A_40 = arith.constant 0 : i32
    %dma_start3A_41 = tpu.memref_slice %arg6[%dma_start3A_39, %dma_start3A_40] : memref<128x768xf32, #tpu.memory_space<vmem>> -> memref<32x768xf32, #tpu.memory_space<vmem>>
    %dma_start3A_42 = arith.constant 0 : i32
    %dma_start3A_43 = arith.constant 0 : i32
    %dma_start3A_44 = tpu.memref_slice %arg4[%add3A, %dma_start3A_42, %dma_start3A_43] : memref<32x512x768xf32, #tpu.memory_space<hbm>> -> memref<1x32x768xf32, #tpu.memory_space<hbm>>
    %dma_start3A_45 = tpu.memref_squeeze %dma_start3A_44 : memref<1x32x768xf32, #tpu.memory_space<hbm>> -> memref<32x768xf32, #tpu.memory_space<hbm>>
    %dma_start3A_46 = arith.constant 0 : i32
    %dma_start3A_47 = arith.constant 0 : i32
    %dma_start3A_48 = tpu.memref_slice %arg4[%add3A, %dma_start3A_46, %dma_start3A_47] : memref<32x512x768xf32, #tpu.memory_space<hbm>> -> memref<1x32x768xf32, #tpu.memory_space<hbm>>
    %dma_start3A_49 = tpu.memref_squeeze %dma_start3A_48 : memref<1x32x768xf32, #tpu.memory_space<hbm>> -> memref<32x768xf32, #tpu.memory_space<hbm>>
    %dma_start3A_50 = arith.constant 0 : i32
    %dma_start3A_51 = arith.constant 0 : i32
    %dma_start3A_52 = tpu.memref_slice %arg6[%dma_start3A_50, %dma_start3A_51] : memref<128x768xf32, #tpu.memory_space<vmem>> -> memref<32x768xf32, #tpu.memory_space<vmem>>
    tpu.enqueue_dma source(%dma_start3A_52 : memref<32x768xf32, #tpu.memory_space<vmem>>) target(%dma_start3A_49 : memref<32x768xf32, #tpu.memory_space<hbm>>) target_semaphore(%arg11 : memref<!tpu.dma_semaphore, #tpu.memory_space<semaphore_mem>>)
    %dma_wait3A_53 = arith.constant 0 : i32
    %dma_wait3A_54 = arith.constant 0 : i32
    %dma_wait3A_55 = tpu.memref_slice %arg6[%dma_wait3A_53, %dma_wait3A_54] : memref<128x768xf32, #tpu.memory_space<vmem>> -> memref<32x768xf32, #tpu.memory_space<vmem>>
    %dma_wait3A_56 = arith.constant 0 : i32
    %dma_wait3A_57 = arith.constant 0 : i32
    %dma_wait3A_58 = tpu.memref_slice %arg4[%add3A, %dma_wait3A_56, %dma_wait3A_57] : memref<32x512x768xf32, #tpu.memory_space<hbm>> -> memref<1x32x768xf32, #tpu.memory_space<hbm>>
    %dma_wait3A_59 = tpu.memref_squeeze %dma_wait3A_58 : memref<1x32x768xf32, #tpu.memory_space<hbm>> -> memref<32x768xf32, #tpu.memory_space<hbm>>
    %dma_wait3A_60 = arith.constant 0 : i32
    %dma_wait3A_61 = arith.constant 0 : i32
    %dma_wait3A_62 = tpu.memref_slice %arg4[%add3A, %dma_wait3A_60, %dma_wait3A_61] : memref<32x512x768xf32, #tpu.memory_space<hbm>> -> memref<1x32x768xf32, #tpu.memory_space<hbm>>
    %dma_wait3A_63 = tpu.memref_squeeze %dma_wait3A_62 : memref<1x32x768xf32, #tpu.memory_space<hbm>> -> memref<32x768xf32, #tpu.memory_space<hbm>>
    %dma_wait3A_64 = arith.constant 0 : i32
    %dma_wait3A_65 = arith.constant 0 : i32
    %dma_wait3A_66 = tpu.memref_slice %arg6[%dma_wait3A_64, %dma_wait3A_65] : memref<128x768xf32, #tpu.memory_space<vmem>> -> memref<32x768xf32, #tpu.memory_space<vmem>>
    tpu.wait_dma2 semaphore(%arg11 : memref<!tpu.dma_semaphore, #tpu.memory_space<semaphore_mem>>) src(%dma_wait3A_66 : memref<32x768xf32, #tpu.memory_space<vmem>>) dst(%dma_wait3A_63 : memref<32x768xf32, #tpu.memory_space<hbm>>)
    %dma_start3A_67 = arith.constant 0 : i32
    %dma_start3A_68 = arith.constant 0 : i32
    %dma_start3A_69 = tpu.memref_slice %arg6[%dma_start3A_67, %dma_start3A_68] : memref<128x768xf32, #tpu.memory_space<vmem>> -> memref<32x768xf32, #tpu.memory_space<vmem>>
    %dma_start3A_70 = arith.constant 128 : i32
    %dma_start3A_71 = tpu.memref_slice %arg5[%dma_start3A_70] : memref<512xi32, #tpu.memory_space<vmem>> -> memref<32xi32, #tpu.memory_space<vmem>>
    %dma_start3A_72 = arith.constant 0 : i32
    %dma_start3A_73 = arith.constant 0 : i32
    %dma_start3A_74 = tpu.memref_slice %arg2[%dma_start3A_72, %dma_start3A_73] : memref<30522x768xf32, #tpu.memory_space<hbm>> -> memref<30522x768xf32, #tpu.memory_space<hbm>>
    tpu.enqueue_indirect_dma source(%dma_start3A_74 : memref<30522x768xf32, #tpu.memory_space<hbm>>) target(%dma_start3A_69 : memref<32x768xf32, #tpu.memory_space<vmem>>) offsets(%dma_start3A_71 : memref<32xi32, #tpu.memory_space<vmem>>) semaphore(%arg7 : memref<!tpu.dma_semaphore, #tpu.memory_space<semaphore_mem>>)
    %dma_wait3A_75 = arith.constant 32 : i32
    %dma_wait3A_76 = arith.constant 0 : i32
    %dma_wait3A_77 = tpu.memref_slice %arg6[%dma_wait3A_75, %dma_wait3A_76] : memref<128x768xf32, #tpu.memory_space<vmem>> -> memref<32x768xf32, #tpu.memory_space<vmem>>
    %dma_wait3A_78 = arith.constant 32 : i32
    %dma_wait3A_79 = tpu.memref_slice %arg5[%dma_wait3A_78] : memref<512xi32, #tpu.memory_space<vmem>> -> memref<32xi32, #tpu.memory_space<vmem>>
    %dma_wait3A_80 = arith.constant 0 : i32
    %dma_wait3A_81 = arith.constant 0 : i32
    %dma_wait3A_82 = tpu.memref_slice %arg2[%dma_wait3A_80, %dma_wait3A_81] : memref<30522x768xf32, #tpu.memory_space<hbm>> -> memref<30522x768xf32, #tpu.memory_space<hbm>>
    tpu.wait_indirect_dma semaphore(%arg8 : memref<!tpu.dma_semaphore, #tpu.memory_space<semaphore_mem>>) src(%dma_wait3A_82 : memref<30522x768xf32, #tpu.memory_space<hbm>>) dst(%dma_wait3A_77 : memref<32x768xf32, #tpu.memory_space<vmem>>)
    %dma_start3A_83 = arith.constant 32 : i32
    %dma_start3A_84 = arith.constant 0 : i32
    %dma_start3A_85 = tpu.memref_slice %arg6[%dma_start3A_83, %dma_start3A_84] : memref<128x768xf32, #tpu.memory_space<vmem>> -> memref<32x768xf32, #tpu.memory_space<vmem>>
    %dma_start3A_86 = arith.constant 32 : i32
    %dma_start3A_87 = arith.constant 0 : i32
    %dma_start3A_88 = tpu.memref_slice %arg4[%add3A, %dma_start3A_86, %dma_start3A_87] : memref<32x512x768xf32, #tpu.memory_space<hbm>> -> memref<1x32x768xf32, #tpu.memory_space<hbm>>
    %dma_start3A_89 = tpu.memref_squeeze %dma_start3A_88 : memref<1x32x768xf32, #tpu.memory_space<hbm>> -> memref<32x768xf32, #tpu.memory_space<hbm>>
    %dma_start3A_90 = arith.constant 32 : i32
    %dma_start3A_91 = arith.constant 0 : i32
    %dma_start3A_92 = tpu.memref_slice %arg4[%add3A, %dma_start3A_90, %dma_start3A_91] : memref<32x512x768xf32, #tpu.memory_space<hbm>> -> memref<1x32x768xf32, #tpu.memory_space<hbm>>
    %dma_start3A_93 = tpu.memref_squeeze %dma_start3A_92 : memref<1x32x768xf32, #tpu.memory_space<hbm>> -> memref<32x768xf32, #tpu.memory_space<hbm>>
    %dma_start3A_94 = arith.constant 32 : i32
    %dma_start3A_95 = arith.constant 0 : i32
    %dma_start3A_96 = tpu.memref_slice %arg6[%dma_start3A_94, %dma_start3A_95] : memref<128x768xf32, #tpu.memory_space<vmem>> -> memref<32x768xf32, #tpu.memory_space<vmem>>
    tpu.enqueue_dma source(%dma_start3A_96 : memref<32x768xf32, #tpu.memory_space<vmem>>) target(%dma_start3A_93 : memref<32x768xf32, #tpu.memory_space<hbm>>) target_semaphore(%arg12 : memref<!tpu.dma_semaphore, #tpu.memory_space<semaphore_mem>>)
    %dma_wait3A_97 = arith.constant 32 : i32
    %dma_wait3A_98 = arith.constant 0 : i32
    %dma_wait3A_99 = tpu.memref_slice %arg6[%dma_wait3A_97, %dma_wait3A_98] : memref<128x768xf32, #tpu.memory_space<vmem>> -> memref<32x768xf32, #tpu.memory_space<vmem>>
    %dma_wait3A_100 = arith.constant 32 : i32
    %dma_wait3A_101 = arith.constant 0 : i32
    %dma_wait3A_102 = tpu.memref_slice %arg4[%add3A, %dma_wait3A_100, %dma_wait3A_101] : memref<32x512x768xf32, #tpu.memory_space<hbm>> -> memref<1x32x768xf32, #tpu.memory_space<hbm>>
    %dma_wait3A_103 = tpu.memref_squeeze %dma_wait3A_102 : memref<1x32x768xf32, #tpu.memory_space<hbm>> -> memref<32x768xf32, #tpu.memory_space<hbm>>
    %dma_wait3A_104 = arith.constant 32 : i32
    %dma_wait3A_105 = arith.constant 0 : i32
    %dma_wait3A_106 = tpu.memref_slice %arg4[%add3A, %dma_wait3A_104, %dma_wait3A_105] : memref<32x512x768xf32, #tpu.memory_space<hbm>> -> memref<1x32x768xf32, #tpu.memory_space<hbm>>
    %dma_wait3A_107 = tpu.memref_squeeze %dma_wait3A_106 : memref<1x32x768xf32, #tpu.memory_space<hbm>> -> memref<32x768xf32, #tpu.memory_space<hbm>>
    %dma_wait3A_108 = arith.constant 32 : i32
    %dma_wait3A_109 = arith.constant 0 : i32
    %dma_wait3A_110 = tpu.memref_slice %arg6[%dma_wait3A_108, %dma_wait3A_109] : memref<128x768xf32, #tpu.memory_space<vmem>> -> memref<32x768xf32, #tpu.memory_space<vmem>>
    tpu.wait_dma2 semaphore(%arg12 : memref<!tpu.dma_semaphore, #tpu.memory_space<semaphore_mem>>) src(%dma_wait3A_110 : memref<32x768xf32, #tpu.memory_space<vmem>>) dst(%dma_wait3A_107 : memref<32x768xf32, #tpu.memory_space<hbm>>)
    %dma_start3A_111 = arith.constant 32 : i32
    %dma_start3A_112 = arith.constant 0 : i32
    %dma_start3A_113 = tpu.memref_slice %arg6[%dma_start3A_111, %dma_start3A_112] : memref<128x768xf32, #tpu.memory_space<vmem>> -> memref<32x768xf32, #tpu.memory_space<vmem>>
    %dma_start3A_114 = arith.constant 160 : i32
    %dma_start3A_115 = tpu.memref_slice %arg5[%dma_start3A_114] : memref<512xi32, #tpu.memory_space<vmem>> -> memref<32xi32, #tpu.memory_space<vmem>>
    %dma_start3A_116 = arith.constant 0 : i32
    %dma_start3A_117 = arith.constant 0 : i32
    %dma_start3A_118 = tpu.memref_slice %arg2[%dma_start3A_116, %dma_start3A_117] : memref<30522x768xf32, #tpu.memory_space<hbm>> -> memref<30522x768xf32, #tpu.memory_space<hbm>>
    tpu.enqueue_indirect_dma source(%dma_start3A_118 : memref<30522x768xf32, #tpu.memory_space<hbm>>) target(%dma_start3A_113 : memref<32x768xf32, #tpu.memory_space<vmem>>) offsets(%dma_start3A_115 : memref<32xi32, #tpu.memory_space<vmem>>) semaphore(%arg8 : memref<!tpu.dma_semaphore, #tpu.memory_space<semaphore_mem>>)
    %dma_wait3A_119 = arith.constant 64 : i32
    %dma_wait3A_120 = arith.constant 0 : i32
    %dma_wait3A_121 = tpu.memref_slice %arg6[%dma_wait3A_119, %dma_wait3A_120] : memref<128x768xf32, #tpu.memory_space<vmem>> -> memref<32x768xf32, #tpu.memory_space<vmem>>
    %dma_wait3A_122 = arith.constant 64 : i32
    %dma_wait3A_123 = tpu.memref_slice %arg5[%dma_wait3A_122] : memref<512xi32, #tpu.memory_space<vmem>> -> memref<32xi32, #tpu.memory_space<vmem>>
    %dma_wait3A_124 = arith.constant 0 : i32
    %dma_wait3A_125 = arith.constant 0 : i32
    %dma_wait3A_126 = tpu.memref_slice %arg2[%dma_wait3A_124, %dma_wait3A_125] : memref<30522x768xf32, #tpu.memory_space<hbm>> -> memref<30522x768xf32, #tpu.memory_space<hbm>>
    tpu.wait_indirect_dma semaphore(%arg9 : memref<!tpu.dma_semaphore, #tpu.memory_space<semaphore_mem>>) src(%dma_wait3A_126 : memref<30522x768xf32, #tpu.memory_space<hbm>>) dst(%dma_wait3A_121 : memref<32x768xf32, #tpu.memory_space<vmem>>)
    %dma_start3A_127 = arith.constant 64 : i32
    %dma_start3A_128 = arith.constant 0 : i32
    %dma_start3A_129 = tpu.memref_slice %arg6[%dma_start3A_127, %dma_start3A_128] : memref<128x768xf32, #tpu.memory_space<vmem>> -> memref<32x768xf32, #tpu.memory_space<vmem>>
    %dma_start3A_130 = arith.constant 64 : i32
    %dma_start3A_131 = arith.constant 0 : i32
    %dma_start3A_132 = tpu.memref_slice %arg4[%add3A, %dma_start3A_130, %dma_start3A_131] : memref<32x512x768xf32, #tpu.memory_space<hbm>> -> memref<1x32x768xf32, #tpu.memory_space<hbm>>
    %dma_start3A_133 = tpu.memref_squeeze %dma_start3A_132 : memref<1x32x768xf32, #tpu.memory_space<hbm>> -> memref<32x768xf32, #tpu.memory_space<hbm>>
    %dma_start3A_134 = arith.constant 64 : i32
    %dma_start3A_135 = arith.constant 0 : i32
    %dma_start3A_136 = tpu.memref_slice %arg4[%add3A, %dma_start3A_134, %dma_start3A_135] : memref<32x512x768xf32, #tpu.memory_space<hbm>> -> memref<1x32x768xf32, #tpu.memory_space<hbm>>
    %dma_start3A_137 = tpu.memref_squeeze %dma_start3A_136 : memref<1x32x768xf32, #tpu.memory_space<hbm>> -> memref<32x768xf32, #tpu.memory_space<hbm>>
    %dma_start3A_138 = arith.constant 64 : i32
    %dma_start3A_139 = arith.constant 0 : i32
    %dma_start3A_140 = tpu.memref_slice %arg6[%dma_start3A_138, %dma_start3A_139] : memref<128x768xf32, #tpu.memory_space<vmem>> -> memref<32x768xf32, #tpu.memory_space<vmem>>
    tpu.enqueue_dma source(%dma_start3A_140 : memref<32x768xf32, #tpu.memory_space<vmem>>) target(%dma_start3A_137 : memref<32x768xf32, #tpu.memory_space<hbm>>) target_semaphore(%arg13 : memref<!tpu.dma_semaphore, #tpu.memory_space<semaphore_mem>>)
    %dma_wait3A_141 = arith.constant 64 : i32
    %dma_wait3A_142 = arith.constant 0 : i32
    %dma_wait3A_143 = tpu.memref_slice %arg6[%dma_wait3A_141, %dma_wait3A_142] : memref<128x768xf32, #tpu.memory_space<vmem>> -> memref<32x768xf32, #tpu.memory_space<vmem>>
    %dma_wait3A_144 = arith.constant 64 : i32
    %dma_wait3A_145 = arith.constant 0 : i32
    %dma_wait3A_146 = tpu.memref_slice %arg4[%add3A, %dma_wait3A_144, %dma_wait3A_145] : memref<32x512x768xf32, #tpu.memory_space<hbm>> -> memref<1x32x768xf32, #tpu.memory_space<hbm>>
    %dma_wait3A_147 = tpu.memref_squeeze %dma_wait3A_146 : memref<1x32x768xf32, #tpu.memory_space<hbm>> -> memref<32x768xf32, #tpu.memory_space<hbm>>
    %dma_wait3A_148 = arith.constant 64 : i32
    %dma_wait3A_149 = arith.constant 0 : i32
    %dma_wait3A_150 = tpu.memref_slice %arg4[%add3A, %dma_wait3A_148, %dma_wait3A_149] : memref<32x512x768xf32, #tpu.memory_space<hbm>> -> memref<1x32x768xf32, #tpu.memory_space<hbm>>
    %dma_wait3A_151 = tpu.memref_squeeze %dma_wait3A_150 : memref<1x32x768xf32, #tpu.memory_space<hbm>> -> memref<32x768xf32, #tpu.memory_space<hbm>>
    %dma_wait3A_152 = arith.constant 64 : i32
    %dma_wait3A_153 = arith.constant 0 : i32
    %dma_wait3A_154 = tpu.memref_slice %arg6[%dma_wait3A_152, %dma_wait3A_153] : memref<128x768xf32, #tpu.memory_space<vmem>> -> memref<32x768xf32, #tpu.memory_space<vmem>>
    tpu.wait_dma2 semaphore(%arg13 : memref<!tpu.dma_semaphore, #tpu.memory_space<semaphore_mem>>) src(%dma_wait3A_154 : memref<32x768xf32, #tpu.memory_space<vmem>>) dst(%dma_wait3A_151 : memref<32x768xf32, #tpu.memory_space<hbm>>)
    %dma_start3A_155 = arith.constant 64 : i32
    %dma_start3A_156 = arith.constant 0 : i32
    %dma_start3A_157 = tpu.memref_slice %arg6[%dma_start3A_155, %dma_start3A_156] : memref<128x768xf32, #tpu.memory_space<vmem>> -> memref<32x768xf32, #tpu.memory_space<vmem>>
    %dma_start3A_158 = arith.constant 192 : i32
    %dma_start3A_159 = tpu.memref_slice %arg5[%dma_start3A_158] : memref<512xi32, #tpu.memory_space<vmem>> -> memref<32xi32, #tpu.memory_space<vmem>>
    %dma_start3A_160 = arith.constant 0 : i32
    %dma_start3A_161 = arith.constant 0 : i32
    %dma_start3A_162 = tpu.memref_slice %arg2[%dma_start3A_160, %dma_start3A_161] : memref<30522x768xf32, #tpu.memory_space<hbm>> -> memref<30522x768xf32, #tpu.memory_space<hbm>>
    tpu.enqueue_indirect_dma source(%dma_start3A_162 : memref<30522x768xf32, #tpu.memory_space<hbm>>) target(%dma_start3A_157 : memref<32x768xf32, #tpu.memory_space<vmem>>) offsets(%dma_start3A_159 : memref<32xi32, #tpu.memory_space<vmem>>) semaphore(%arg9 : memref<!tpu.dma_semaphore, #tpu.memory_space<semaphore_mem>>)
    %dma_wait3A_163 = arith.constant 96 : i32
    %dma_wait3A_164 = arith.constant 0 : i32
    %dma_wait3A_165 = tpu.memref_slice %arg6[%dma_wait3A_163, %dma_wait3A_164] : memref<128x768xf32, #tpu.memory_space<vmem>> -> memref<32x768xf32, #tpu.memory_space<vmem>>
    %dma_wait3A_166 = arith.constant 96 : i32
    %dma_wait3A_167 = tpu.memref_slice %arg5[%dma_wait3A_166] : memref<512xi32, #tpu.memory_space<vmem>> -> memref<32xi32, #tpu.memory_space<vmem>>
    %dma_wait3A_168 = arith.constant 0 : i32
    %dma_wait3A_169 = arith.constant 0 : i32
    %dma_wait3A_170 = tpu.memref_slice %arg2[%dma_wait3A_168, %dma_wait3A_169] : memref<30522x768xf32, #tpu.memory_space<hbm>> -> memref<30522x768xf32, #tpu.memory_space<hbm>>
    tpu.wait_indirect_dma semaphore(%arg10 : memref<!tpu.dma_semaphore, #tpu.memory_space<semaphore_mem>>) src(%dma_wait3A_170 : memref<30522x768xf32, #tpu.memory_space<hbm>>) dst(%dma_wait3A_165 : memref<32x768xf32, #tpu.memory_space<vmem>>)
    %dma_start3A_171 = arith.constant 96 : i32
    %dma_start3A_172 = arith.constant 0 : i32
    %dma_start3A_173 = tpu.memref_slice %arg6[%dma_start3A_171, %dma_start3A_172] : memref<128x768xf32, #tpu.memory_space<vmem>> -> memref<32x768xf32, #tpu.memory_space<vmem>>
    %dma_start3A_174 = arith.constant 96 : i32
    %dma_start3A_175 = arith.constant 0 : i32
    %dma_start3A_176 = tpu.memref_slice %arg4[%add3A, %dma_start3A_174, %dma_start3A_175] : memref<32x512x768xf32, #tpu.memory_space<hbm>> -> memref<1x32x768xf32, #tpu.memory_space<hbm>>
    %dma_start3A_177 = tpu.memref_squeeze %dma_start3A_176 : memref<1x32x768xf32, #tpu.memory_space<hbm>> -> memref<32x768xf32, #tpu.memory_space<hbm>>
    %dma_start3A_178 = arith.constant 96 : i32
    %dma_start3A_179 = arith.constant 0 : i32
    %dma_start3A_180 = tpu.memref_slice %arg4[%add3A, %dma_start3A_178, %dma_start3A_179] : memref<32x512x768xf32, #tpu.memory_space<hbm>> -> memref<1x32x768xf32, #tpu.memory_space<hbm>>
    %dma_start3A_181 = tpu.memref_squeeze %dma_start3A_180 : memref<1x32x768xf32, #tpu.memory_space<hbm>> -> memref<32x768xf32, #tpu.memory_space<hbm>>
    %dma_start3A_182 = arith.constant 96 : i32
    %dma_start3A_183 = arith.constant 0 : i32
    %dma_start3A_184 = tpu.memref_slice %arg6[%dma_start3A_182, %dma_start3A_183] : memref<128x768xf32, #tpu.memory_space<vmem>> -> memref<32x768xf32, #tpu.memory_space<vmem>>
    tpu.enqueue_dma source(%dma_start3A_184 : memref<32x768xf32, #tpu.memory_space<vmem>>) target(%dma_start3A_181 : memref<32x768xf32, #tpu.memory_space<hbm>>) target_semaphore(%arg14 : memref<!tpu.dma_semaphore, #tpu.memory_space<semaphore_mem>>)
    %dma_wait3A_185 = arith.constant 96 : i32
    %dma_wait3A_186 = arith.constant 0 : i32
    %dma_wait3A_187 = tpu.memref_slice %arg6[%dma_wait3A_185, %dma_wait3A_186] : memref<128x768xf32, #tpu.memory_space<vmem>> -> memref<32x768xf32, #tpu.memory_space<vmem>>
    %dma_wait3A_188 = arith.constant 96 : i32
    %dma_wait3A_189 = arith.constant 0 : i32
    %dma_wait3A_190 = tpu.memref_slice %arg4[%add3A, %dma_wait3A_188, %dma_wait3A_189] : memref<32x512x768xf32, #tpu.memory_space<hbm>> -> memref<1x32x768xf32, #tpu.memory_space<hbm>>
    %dma_wait3A_191 = tpu.memref_squeeze %dma_wait3A_190 : memref<1x32x768xf32, #tpu.memory_space<hbm>> -> memref<32x768xf32, #tpu.memory_space<hbm>>
    %dma_wait3A_192 = arith.constant 96 : i32
    %dma_wait3A_193 = arith.constant 0 : i32
    %dma_wait3A_194 = tpu.memref_slice %arg4[%add3A, %dma_wait3A_192, %dma_wait3A_193] : memref<32x512x768xf32, #tpu.memory_space<hbm>> -> memref<1x32x768xf32, #tpu.memory_space<hbm>>
    %dma_wait3A_195 = tpu.memref_squeeze %dma_wait3A_194 : memref<1x32x768xf32, #tpu.memory_space<hbm>> -> memref<32x768xf32, #tpu.memory_space<hbm>>
    %dma_wait3A_196 = arith.constant 96 : i32
    %dma_wait3A_197 = arith.constant 0 : i32
    %dma_wait3A_198 = tpu.memref_slice %arg6[%dma_wait3A_196, %dma_wait3A_197] : memref<128x768xf32, #tpu.memory_space<vmem>> -> memref<32x768xf32, #tpu.memory_space<vmem>>
    tpu.wait_dma2 semaphore(%arg14 : memref<!tpu.dma_semaphore, #tpu.memory_space<semaphore_mem>>) src(%dma_wait3A_198 : memref<32x768xf32, #tpu.memory_space<vmem>>) dst(%dma_wait3A_195 : memref<32x768xf32, #tpu.memory_space<hbm>>)
    %dma_start3A_199 = arith.constant 96 : i32
    %dma_start3A_200 = arith.constant 0 : i32
    %dma_start3A_201 = tpu.memref_slice %arg6[%dma_start3A_199, %dma_start3A_200] : memref<128x768xf32, #tpu.memory_space<vmem>> -> memref<32x768xf32, #tpu.memory_space<vmem>>
    %dma_start3A_202 = arith.constant 224 : i32
    %dma_start3A_203 = tpu.memref_slice %arg5[%dma_start3A_202] : memref<512xi32, #tpu.memory_space<vmem>> -> memref<32xi32, #tpu.memory_space<vmem>>
    %dma_start3A_204 = arith.constant 0 : i32
    %dma_start3A_205 = arith.constant 0 : i32
    %dma_start3A_206 = tpu.memref_slice %arg2[%dma_start3A_204, %dma_start3A_205] : memref<30522x768xf32, #tpu.memory_space<hbm>> -> memref<30522x768xf32, #tpu.memory_space<hbm>>
    tpu.enqueue_indirect_dma source(%dma_start3A_206 : memref<30522x768xf32, #tpu.memory_space<hbm>>) target(%dma_start3A_201 : memref<32x768xf32, #tpu.memory_space<vmem>>) offsets(%dma_start3A_203 : memref<32xi32, #tpu.memory_space<vmem>>) semaphore(%arg10 : memref<!tpu.dma_semaphore, #tpu.memory_space<semaphore_mem>>)
    %dma_wait3A_207 = arith.constant 0 : i32
    %dma_wait3A_208 = arith.constant 0 : i32
    %dma_wait3A_209 = tpu.memref_slice %arg6[%dma_wait3A_207, %dma_wait3A_208] : memref<128x768xf32, #tpu.memory_space<vmem>> -> memref<32x768xf32, #tpu.memory_space<vmem>>
    %dma_wait3A_210 = arith.constant 128 : i32
    %dma_wait3A_211 = tpu.memref_slice %arg5[%dma_wait3A_210] : memref<512xi32, #tpu.memory_space<vmem>> -> memref<32xi32, #tpu.memory_space<vmem>>
    %dma_wait3A_212 = arith.constant 0 : i32
    %dma_wait3A_213 = arith.constant 0 : i32
    %dma_wait3A_214 = tpu.memref_slice %arg2[%dma_wait3A_212, %dma_wait3A_213] : memref<30522x768xf32, #tpu.memory_space<hbm>> -> memref<30522x768xf32, #tpu.memory_space<hbm>>
    tpu.wait_indirect_dma semaphore(%arg7 : memref<!tpu.dma_semaphore, #tpu.memory_space<semaphore_mem>>) src(%dma_wait3A_214 : memref<30522x768xf32, #tpu.memory_space<hbm>>) dst(%dma_wait3A_209 : memref<32x768xf32, #tpu.memory_space<vmem>>)
    %dma_start3A_215 = arith.constant 0 : i32
    %dma_start3A_216 = arith.constant 0 : i32
    %dma_start3A_217 = tpu.memref_slice %arg6[%dma_start3A_215, %dma_start3A_216] : memref<128x768xf32, #tpu.memory_space<vmem>> -> memref<32x768xf32, #tpu.memory_space<vmem>>
    %dma_start3A_218 = arith.constant 128 : i32
    %dma_start3A_219 = arith.constant 0 : i32
    %dma_start3A_220 = tpu.memref_slice %arg4[%add3A, %dma_start3A_218, %dma_start3A_219] : memref<32x512x768xf32, #tpu.memory_space<hbm>> -> memref<1x32x768xf32, #tpu.memory_space<hbm>>
    %dma_start3A_221 = tpu.memref_squeeze %dma_start3A_220 : memref<1x32x768xf32, #tpu.memory_space<hbm>> -> memref<32x768xf32, #tpu.memory_space<hbm>>
    %dma_start3A_222 = arith.constant 128 : i32
    %dma_start3A_223 = arith.constant 0 : i32
    %dma_start3A_224 = tpu.memref_slice %arg4[%add3A, %dma_start3A_222, %dma_start3A_223] : memref<32x512x768xf32, #tpu.memory_space<hbm>> -> memref<1x32x768xf32, #tpu.memory_space<hbm>>
    %dma_start3A_225 = tpu.memref_squeeze %dma_start3A_224 : memref<1x32x768xf32, #tpu.memory_space<hbm>> -> memref<32x768xf32, #tpu.memory_space<hbm>>
    %dma_start3A_226 = arith.constant 0 : i32
    %dma_start3A_227 = arith.constant 0 : i32
    %dma_start3A_228 = tpu.memref_slice %arg6[%dma_start3A_226, %dma_start3A_227] : memref<128x768xf32, #tpu.memory_space<vmem>> -> memref<32x768xf32, #tpu.memory_space<vmem>>
    tpu.enqueue_dma source(%dma_start3A_228 : memref<32x768xf32, #tpu.memory_space<vmem>>) target(%dma_start3A_225 : memref<32x768xf32, #tpu.memory_space<hbm>>) target_semaphore(%arg11 : memref<!tpu.dma_semaphore, #tpu.memory_space<semaphore_mem>>)
    %dma_wait3A_229 = arith.constant 0 : i32
    %dma_wait3A_230 = arith.constant 0 : i32
    %dma_wait3A_231 = tpu.memref_slice %arg6[%dma_wait3A_229, %dma_wait3A_230] : memref<128x768xf32, #tpu.memory_space<vmem>> -> memref<32x768xf32, #tpu.memory_space<vmem>>
    %dma_wait3A_232 = arith.constant 128 : i32
    %dma_wait3A_233 = arith.constant 0 : i32
    %dma_wait3A_234 = tpu.memref_slice %arg4[%add3A, %dma_wait3A_232, %dma_wait3A_233] : memref<32x512x768xf32, #tpu.memory_space<hbm>> -> memref<1x32x768xf32, #tpu.memory_space<hbm>>
    %dma_wait3A_235 = tpu.memref_squeeze %dma_wait3A_234 : memref<1x32x768xf32, #tpu.memory_space<hbm>> -> memref<32x768xf32, #tpu.memory_space<hbm>>
    %dma_wait3A_236 = arith.constant 128 : i32
    %dma_wait3A_237 = arith.constant 0 : i32
    %dma_wait3A_238 = tpu.memref_slice %arg4[%add3A, %dma_wait3A_236, %dma_wait3A_237] : memref<32x512x768xf32, #tpu.memory_space<hbm>> -> memref<1x32x768xf32, #tpu.memory_space<hbm>>
    %dma_wait3A_239 = tpu.memref_squeeze %dma_wait3A_238 : memref<1x32x768xf32, #tpu.memory_space<hbm>> -> memref<32x768xf32, #tpu.memory_space<hbm>>
    %dma_wait3A_240 = arith.constant 0 : i32
    %dma_wait3A_241 = arith.constant 0 : i32
    %dma_wait3A_242 = tpu.memref_slice %arg6[%dma_wait3A_240, %dma_wait3A_241] : memref<128x768xf32, #tpu.memory_space<vmem>> -> memref<32x768xf32, #tpu.memory_space<vmem>>
    tpu.wait_dma2 semaphore(%arg11 : memref<!tpu.dma_semaphore, #tpu.memory_space<semaphore_mem>>) src(%dma_wait3A_242 : memref<32x768xf32, #tpu.memory_space<vmem>>) dst(%dma_wait3A_239 : memref<32x768xf32, #tpu.memory_space<hbm>>)
    %dma_start3A_243 = arith.constant 0 : i32
    %dma_start3A_244 = arith.constant 0 : i32
    %dma_start3A_245 = tpu.memref_slice %arg6[%dma_start3A_243, %dma_start3A_244] : memref<128x768xf32, #tpu.memory_space<vmem>> -> memref<32x768xf32, #tpu.memory_space<vmem>>
    %dma_start3A_246 = arith.constant 256 : i32
    %dma_start3A_247 = tpu.memref_slice %arg5[%dma_start3A_246] : memref<512xi32, #tpu.memory_space<vmem>> -> memref<32xi32, #tpu.memory_space<vmem>>
    %dma_start3A_248 = arith.constant 0 : i32
    %dma_start3A_249 = arith.constant 0 : i32
    %dma_start3A_250 = tpu.memref_slice %arg2[%dma_start3A_248, %dma_start3A_249] : memref<30522x768xf32, #tpu.memory_space<hbm>> -> memref<30522x768xf32, #tpu.memory_space<hbm>>
    tpu.enqueue_indirect_dma source(%dma_start3A_250 : memref<30522x768xf32, #tpu.memory_space<hbm>>) target(%dma_start3A_245 : memref<32x768xf32, #tpu.memory_space<vmem>>) offsets(%dma_start3A_247 : memref<32xi32, #tpu.memory_space<vmem>>) semaphore(%arg7 : memref<!tpu.dma_semaphore, #tpu.memory_space<semaphore_mem>>)
    %dma_wait3A_251 = arith.constant 32 : i32
    %dma_wait3A_252 = arith.constant 0 : i32
    %dma_wait3A_253 = tpu.memref_slice %arg6[%dma_wait3A_251, %dma_wait3A_252] : memref<128x768xf32, #tpu.memory_space<vmem>> -> memref<32x768xf32, #tpu.memory_space<vmem>>
    %dma_wait3A_254 = arith.constant 160 : i32
    %dma_wait3A_255 = tpu.memref_slice %arg5[%dma_wait3A_254] : memref<512xi32, #tpu.memory_space<vmem>> -> memref<32xi32, #tpu.memory_space<vmem>>
    %dma_wait3A_256 = arith.constant 0 : i32
    %dma_wait3A_257 = arith.constant 0 : i32
    %dma_wait3A_258 = tpu.memref_slice %arg2[%dma_wait3A_256, %dma_wait3A_257] : memref<30522x768xf32, #tpu.memory_space<hbm>> -> memref<30522x768xf32, #tpu.memory_space<hbm>>
    tpu.wait_indirect_dma semaphore(%arg8 : memref<!tpu.dma_semaphore, #tpu.memory_space<semaphore_mem>>) src(%dma_wait3A_258 : memref<30522x768xf32, #tpu.memory_space<hbm>>) dst(%dma_wait3A_253 : memref<32x768xf32, #tpu.memory_space<vmem>>)
    %dma_start3A_259 = arith.constant 32 : i32
    %dma_start3A_260 = arith.constant 0 : i32
    %dma_start3A_261 = tpu.memref_slice %arg6[%dma_start3A_259, %dma_start3A_260] : memref<128x768xf32, #tpu.memory_space<vmem>> -> memref<32x768xf32, #tpu.memory_space<vmem>>
    %dma_start3A_262 = arith.constant 160 : i32
    %dma_start3A_263 = arith.constant 0 : i32
    %dma_start3A_264 = tpu.memref_slice %arg4[%add3A, %dma_start3A_262, %dma_start3A_263] : memref<32x512x768xf32, #tpu.memory_space<hbm>> -> memref<1x32x768xf32, #tpu.memory_space<hbm>>
    %dma_start3A_265 = tpu.memref_squeeze %dma_start3A_264 : memref<1x32x768xf32, #tpu.memory_space<hbm>> -> memref<32x768xf32, #tpu.memory_space<hbm>>
    %dma_start3A_266 = arith.constant 160 : i32
    %dma_start3A_267 = arith.constant 0 : i32
    %dma_start3A_268 = tpu.memref_slice %arg4[%add3A, %dma_start3A_266, %dma_start3A_267] : memref<32x512x768xf32, #tpu.memory_space<hbm>> -> memref<1x32x768xf32, #tpu.memory_space<hbm>>
    %dma_start3A_269 = tpu.memref_squeeze %dma_start3A_268 : memref<1x32x768xf32, #tpu.memory_space<hbm>> -> memref<32x768xf32, #tpu.memory_space<hbm>>
    %dma_start3A_270 = arith.constant 32 : i32
    %dma_start3A_271 = arith.constant 0 : i32
    %dma_start3A_272 = tpu.memref_slice %arg6[%dma_start3A_270, %dma_start3A_271] : memref<128x768xf32, #tpu.memory_space<vmem>> -> memref<32x768xf32, #tpu.memory_space<vmem>>
    tpu.enqueue_dma source(%dma_start3A_272 : memref<32x768xf32, #tpu.memory_space<vmem>>) target(%dma_start3A_269 : memref<32x768xf32, #tpu.memory_space<hbm>>) target_semaphore(%arg12 : memref<!tpu.dma_semaphore, #tpu.memory_space<semaphore_mem>>)
    %dma_wait3A_273 = arith.constant 32 : i32
    %dma_wait3A_274 = arith.constant 0 : i32
    %dma_wait3A_275 = tpu.memref_slice %arg6[%dma_wait3A_273, %dma_wait3A_274] : memref<128x768xf32, #tpu.memory_space<vmem>> -> memref<32x768xf32, #tpu.memory_space<vmem>>
    %dma_wait3A_276 = arith.constant 160 : i32
    %dma_wait3A_277 = arith.constant 0 : i32
    %dma_wait3A_278 = tpu.memref_slice %arg4[%add3A, %dma_wait3A_276, %dma_wait3A_277] : memref<32x512x768xf32, #tpu.memory_space<hbm>> -> memref<1x32x768xf32, #tpu.memory_space<hbm>>
    %dma_wait3A_279 = tpu.memref_squeeze %dma_wait3A_278 : memref<1x32x768xf32, #tpu.memory_space<hbm>> -> memref<32x768xf32, #tpu.memory_space<hbm>>
    %dma_wait3A_280 = arith.constant 160 : i32
    %dma_wait3A_281 = arith.constant 0 : i32
    %dma_wait3A_282 = tpu.memref_slice %arg4[%add3A, %dma_wait3A_280, %dma_wait3A_281] : memref<32x512x768xf32, #tpu.memory_space<hbm>> -> memref<1x32x768xf32, #tpu.memory_space<hbm>>
    %dma_wait3A_283 = tpu.memref_squeeze %dma_wait3A_282 : memref<1x32x768xf32, #tpu.memory_space<hbm>> -> memref<32x768xf32, #tpu.memory_space<hbm>>
    %dma_wait3A_284 = arith.constant 32 : i32
    %dma_wait3A_285 = arith.constant 0 : i32
    %dma_wait3A_286 = tpu.memref_slice %arg6[%dma_wait3A_284, %dma_wait3A_285] : memref<128x768xf32, #tpu.memory_space<vmem>> -> memref<32x768xf32, #tpu.memory_space<vmem>>
    tpu.wait_dma2 semaphore(%arg12 : memref<!tpu.dma_semaphore, #tpu.memory_space<semaphore_mem>>) src(%dma_wait3A_286 : memref<32x768xf32, #tpu.memory_space<vmem>>) dst(%dma_wait3A_283 : memref<32x768xf32, #tpu.memory_space<hbm>>)
    %dma_start3A_287 = arith.constant 32 : i32
    %dma_start3A_288 = arith.constant 0 : i32
    %dma_start3A_289 = tpu.memref_slice %arg6[%dma_start3A_287, %dma_start3A_288] : memref<128x768xf32, #tpu.memory_space<vmem>> -> memref<32x768xf32, #tpu.memory_space<vmem>>
    %dma_start3A_290 = arith.constant 288 : i32
    %dma_start3A_291 = tpu.memref_slice %arg5[%dma_start3A_290] : memref<512xi32, #tpu.memory_space<vmem>> -> memref<32xi32, #tpu.memory_space<vmem>>
    %dma_start3A_292 = arith.constant 0 : i32
    %dma_start3A_293 = arith.constant 0 : i32
    %dma_start3A_294 = tpu.memref_slice %arg2[%dma_start3A_292, %dma_start3A_293] : memref<30522x768xf32, #tpu.memory_space<hbm>> -> memref<30522x768xf32, #tpu.memory_space<hbm>>
    tpu.enqueue_indirect_dma source(%dma_start3A_294 : memref<30522x768xf32, #tpu.memory_space<hbm>>) target(%dma_start3A_289 : memref<32x768xf32, #tpu.memory_space<vmem>>) offsets(%dma_start3A_291 : memref<32xi32, #tpu.memory_space<vmem>>) semaphore(%arg8 : memref<!tpu.dma_semaphore, #tpu.memory_space<semaphore_mem>>)
    %dma_wait3A_295 = arith.constant 64 : i32
    %dma_wait3A_296 = arith.constant 0 : i32
    %dma_wait3A_297 = tpu.memref_slice %arg6[%dma_wait3A_295, %dma_wait3A_296] : memref<128x768xf32, #tpu.memory_space<vmem>> -> memref<32x768xf32, #tpu.memory_space<vmem>>
    %dma_wait3A_298 = arith.constant 192 : i32
    %dma_wait3A_299 = tpu.memref_slice %arg5[%dma_wait3A_298] : memref<512xi32, #tpu.memory_space<vmem>> -> memref<32xi32, #tpu.memory_space<vmem>>
    %dma_wait3A_300 = arith.constant 0 : i32
    %dma_wait3A_301 = arith.constant 0 : i32
    %dma_wait3A_302 = tpu.memref_slice %arg2[%dma_wait3A_300, %dma_wait3A_301] : memref<30522x768xf32, #tpu.memory_space<hbm>> -> memref<30522x768xf32, #tpu.memory_space<hbm>>
    tpu.wait_indirect_dma semaphore(%arg9 : memref<!tpu.dma_semaphore, #tpu.memory_space<semaphore_mem>>) src(%dma_wait3A_302 : memref<30522x768xf32, #tpu.memory_space<hbm>>) dst(%dma_wait3A_297 : memref<32x768xf32, #tpu.memory_space<vmem>>)
    %dma_start3A_303 = arith.constant 64 : i32
    %dma_start3A_304 = arith.constant 0 : i32
    %dma_start3A_305 = tpu.memref_slice %arg6[%dma_start3A_303, %dma_start3A_304] : memref<128x768xf32, #tpu.memory_space<vmem>> -> memref<32x768xf32, #tpu.memory_space<vmem>>
    %dma_start3A_306 = arith.constant 192 : i32
    %dma_start3A_307 = arith.constant 0 : i32
    %dma_start3A_308 = tpu.memref_slice %arg4[%add3A, %dma_start3A_306, %dma_start3A_307] : memref<32x512x768xf32, #tpu.memory_space<hbm>> -> memref<1x32x768xf32, #tpu.memory_space<hbm>>
    %dma_start3A_309 = tpu.memref_squeeze %dma_start3A_308 : memref<1x32x768xf32, #tpu.memory_space<hbm>> -> memref<32x768xf32, #tpu.memory_space<hbm>>
    %dma_start3A_310 = arith.constant 192 : i32
    %dma_start3A_311 = arith.constant 0 : i32
    %dma_start3A_312 = tpu.memref_slice %arg4[%add3A, %dma_start3A_310, %dma_start3A_311] : memref<32x512x768xf32, #tpu.memory_space<hbm>> -> memref<1x32x768xf32, #tpu.memory_space<hbm>>
    %dma_start3A_313 = tpu.memref_squeeze %dma_start3A_312 : memref<1x32x768xf32, #tpu.memory_space<hbm>> -> memref<32x768xf32, #tpu.memory_space<hbm>>
    %dma_start3A_314 = arith.constant 64 : i32
    %dma_start3A_315 = arith.constant 0 : i32
    %dma_start3A_316 = tpu.memref_slice %arg6[%dma_start3A_314, %dma_start3A_315] : memref<128x768xf32, #tpu.memory_space<vmem>> -> memref<32x768xf32, #tpu.memory_space<vmem>>
    tpu.enqueue_dma source(%dma_start3A_316 : memref<32x768xf32, #tpu.memory_space<vmem>>) target(%dma_start3A_313 : memref<32x768xf32, #tpu.memory_space<hbm>>) target_semaphore(%arg13 : memref<!tpu.dma_semaphore, #tpu.memory_space<semaphore_mem>>)
    %dma_wait3A_317 = arith.constant 64 : i32
    %dma_wait3A_318 = arith.constant 0 : i32
    %dma_wait3A_319 = tpu.memref_slice %arg6[%dma_wait3A_317, %dma_wait3A_318] : memref<128x768xf32, #tpu.memory_space<vmem>> -> memref<32x768xf32, #tpu.memory_space<vmem>>
    %dma_wait3A_320 = arith.constant 192 : i32
    %dma_wait3A_321 = arith.constant 0 : i32
    %dma_wait3A_322 = tpu.memref_slice %arg4[%add3A, %dma_wait3A_320, %dma_wait3A_321] : memref<32x512x768xf32, #tpu.memory_space<hbm>> -> memref<1x32x768xf32, #tpu.memory_space<hbm>>
    %dma_wait3A_323 = tpu.memref_squeeze %dma_wait3A_322 : memref<1x32x768xf32, #tpu.memory_space<hbm>> -> memref<32x768xf32, #tpu.memory_space<hbm>>
    %dma_wait3A_324 = arith.constant 192 : i32
    %dma_wait3A_325 = arith.constant 0 : i32
    %dma_wait3A_326 = tpu.memref_slice %arg4[%add3A, %dma_wait3A_324, %dma_wait3A_325] : memref<32x512x768xf32, #tpu.memory_space<hbm>> -> memref<1x32x768xf32, #tpu.memory_space<hbm>>
    %dma_wait3A_327 = tpu.memref_squeeze %dma_wait3A_326 : memref<1x32x768xf32, #tpu.memory_space<hbm>> -> memref<32x768xf32, #tpu.memory_space<hbm>>
    %dma_wait3A_328 = arith.constant 64 : i32
    %dma_wait3A_329 = arith.constant 0 : i32
    %dma_wait3A_330 = tpu.memref_slice %arg6[%dma_wait3A_328, %dma_wait3A_329] : memref<128x768xf32, #tpu.memory_space<vmem>> -> memref<32x768xf32, #tpu.memory_space<vmem>>
    tpu.wait_dma2 semaphore(%arg13 : memref<!tpu.dma_semaphore, #tpu.memory_space<semaphore_mem>>) src(%dma_wait3A_330 : memref<32x768xf32, #tpu.memory_space<vmem>>) dst(%dma_wait3A_327 : memref<32x768xf32, #tpu.memory_space<hbm>>)
    %dma_start3A_331 = arith.constant 64 : i32
    %dma_start3A_332 = arith.constant 0 : i32
    %dma_start3A_333 = tpu.memref_slice %arg6[%dma_start3A_331, %dma_start3A_332] : memref<128x768xf32, #tpu.memory_space<vmem>> -> memref<32x768xf32, #tpu.memory_space<vmem>>
    %dma_start3A_334 = arith.constant 320 : i32
    %dma_start3A_335 = tpu.memref_slice %arg5[%dma_start3A_334] : memref<512xi32, #tpu.memory_space<vmem>> -> memref<32xi32, #tpu.memory_space<vmem>>
    %dma_start3A_336 = arith.constant 0 : i32
    %dma_start3A_337 = arith.constant 0 : i32
    %dma_start3A_338 = tpu.memref_slice %arg2[%dma_start3A_336, %dma_start3A_337] : memref<30522x768xf32, #tpu.memory_space<hbm>> -> memref<30522x768xf32, #tpu.memory_space<hbm>>
    tpu.enqueue_indirect_dma source(%dma_start3A_338 : memref<30522x768xf32, #tpu.memory_space<hbm>>) target(%dma_start3A_333 : memref<32x768xf32, #tpu.memory_space<vmem>>) offsets(%dma_start3A_335 : memref<32xi32, #tpu.memory_space<vmem>>) semaphore(%arg9 : memref<!tpu.dma_semaphore, #tpu.memory_space<semaphore_mem>>)
    %dma_wait3A_339 = arith.constant 96 : i32
    %dma_wait3A_340 = arith.constant 0 : i32
    %dma_wait3A_341 = tpu.memref_slice %arg6[%dma_wait3A_339, %dma_wait3A_340] : memref<128x768xf32, #tpu.memory_space<vmem>> -> memref<32x768xf32, #tpu.memory_space<vmem>>
    %dma_wait3A_342 = arith.constant 224 : i32
    %dma_wait3A_343 = tpu.memref_slice %arg5[%dma_wait3A_342] : memref<512xi32, #tpu.memory_space<vmem>> -> memref<32xi32, #tpu.memory_space<vmem>>
    %dma_wait3A_344 = arith.constant 0 : i32
    %dma_wait3A_345 = arith.constant 0 : i32
    %dma_wait3A_346 = tpu.memref_slice %arg2[%dma_wait3A_344, %dma_wait3A_345] : memref<30522x768xf32, #tpu.memory_space<hbm>> -> memref<30522x768xf32, #tpu.memory_space<hbm>>
    tpu.wait_indirect_dma semaphore(%arg10 : memref<!tpu.dma_semaphore, #tpu.memory_space<semaphore_mem>>) src(%dma_wait3A_346 : memref<30522x768xf32, #tpu.memory_space<hbm>>) dst(%dma_wait3A_341 : memref<32x768xf32, #tpu.memory_space<vmem>>)
    %dma_start3A_347 = arith.constant 96 : i32
    %dma_start3A_348 = arith.constant 0 : i32
    %dma_start3A_349 = tpu.memref_slice %arg6[%dma_start3A_347, %dma_start3A_348] : memref<128x768xf32, #tpu.memory_space<vmem>> -> memref<32x768xf32, #tpu.memory_space<vmem>>
    %dma_start3A_350 = arith.constant 224 : i32
    %dma_start3A_351 = arith.constant 0 : i32
    %dma_start3A_352 = tpu.memref_slice %arg4[%add3A, %dma_start3A_350, %dma_start3A_351] : memref<32x512x768xf32, #tpu.memory_space<hbm>> -> memref<1x32x768xf32, #tpu.memory_space<hbm>>
    %dma_start3A_353 = tpu.memref_squeeze %dma_start3A_352 : memref<1x32x768xf32, #tpu.memory_space<hbm>> -> memref<32x768xf32, #tpu.memory_space<hbm>>
    %dma_start3A_354 = arith.constant 224 : i32
    %dma_start3A_355 = arith.constant 0 : i32
    %dma_start3A_356 = tpu.memref_slice %arg4[%add3A, %dma_start3A_354, %dma_start3A_355] : memref<32x512x768xf32, #tpu.memory_space<hbm>> -> memref<1x32x768xf32, #tpu.memory_space<hbm>>
    %dma_start3A_357 = tpu.memref_squeeze %dma_start3A_356 : memref<1x32x768xf32, #tpu.memory_space<hbm>> -> memref<32x768xf32, #tpu.memory_space<hbm>>
    %dma_start3A_358 = arith.constant 96 : i32
    %dma_start3A_359 = arith.constant 0 : i32
    %dma_start3A_360 = tpu.memref_slice %arg6[%dma_start3A_358, %dma_start3A_359] : memref<128x768xf32, #tpu.memory_space<vmem>> -> memref<32x768xf32, #tpu.memory_space<vmem>>
    tpu.enqueue_dma source(%dma_start3A_360 : memref<32x768xf32, #tpu.memory_space<vmem>>) target(%dma_start3A_357 : memref<32x768xf32, #tpu.memory_space<hbm>>) target_semaphore(%arg14 : memref<!tpu.dma_semaphore, #tpu.memory_space<semaphore_mem>>)
    %dma_wait3A_361 = arith.constant 96 : i32
    %dma_wait3A_362 = arith.constant 0 : i32
    %dma_wait3A_363 = tpu.memref_slice %arg6[%dma_wait3A_361, %dma_wait3A_362] : memref<128x768xf32, #tpu.memory_space<vmem>> -> memref<32x768xf32, #tpu.memory_space<vmem>>
    %dma_wait3A_364 = arith.constant 224 : i32
    %dma_wait3A_365 = arith.constant 0 : i32
    %dma_wait3A_366 = tpu.memref_slice %arg4[%add3A, %dma_wait3A_364, %dma_wait3A_365] : memref<32x512x768xf32, #tpu.memory_space<hbm>> -> memref<1x32x768xf32, #tpu.memory_space<hbm>>
    %dma_wait3A_367 = tpu.memref_squeeze %dma_wait3A_366 : memref<1x32x768xf32, #tpu.memory_space<hbm>> -> memref<32x768xf32, #tpu.memory_space<hbm>>
    %dma_wait3A_368 = arith.constant 224 : i32
    %dma_wait3A_369 = arith.constant 0 : i32
    %dma_wait3A_370 = tpu.memref_slice %arg4[%add3A, %dma_wait3A_368, %dma_wait3A_369] : memref<32x512x768xf32, #tpu.memory_space<hbm>> -> memref<1x32x768xf32, #tpu.memory_space<hbm>>
    %dma_wait3A_371 = tpu.memref_squeeze %dma_wait3A_370 : memref<1x32x768xf32, #tpu.memory_space<hbm>> -> memref<32x768xf32, #tpu.memory_space<hbm>>
    %dma_wait3A_372 = arith.constant 96 : i32
    %dma_wait3A_373 = arith.constant 0 : i32
    %dma_wait3A_374 = tpu.memref_slice %arg6[%dma_wait3A_372, %dma_wait3A_373] : memref<128x768xf32, #tpu.memory_space<vmem>> -> memref<32x768xf32, #tpu.memory_space<vmem>>
    tpu.wait_dma2 semaphore(%arg14 : memref<!tpu.dma_semaphore, #tpu.memory_space<semaphore_mem>>) src(%dma_wait3A_374 : memref<32x768xf32, #tpu.memory_space<vmem>>) dst(%dma_wait3A_371 : memref<32x768xf32, #tpu.memory_space<hbm>>)
    %dma_start3A_375 = arith.constant 96 : i32
    %dma_start3A_376 = arith.constant 0 : i32
    %dma_start3A_377 = tpu.memref_slice %arg6[%dma_start3A_375, %dma_start3A_376] : memref<128x768xf32, #tpu.memory_space<vmem>> -> memref<32x768xf32, #tpu.memory_space<vmem>>
    %dma_start3A_378 = arith.constant 352 : i32
    %dma_start3A_379 = tpu.memref_slice %arg5[%dma_start3A_378] : memref<512xi32, #tpu.memory_space<vmem>> -> memref<32xi32, #tpu.memory_space<vmem>>
    %dma_start3A_380 = arith.constant 0 : i32
    %dma_start3A_381 = arith.constant 0 : i32
    %dma_start3A_382 = tpu.memref_slice %arg2[%dma_start3A_380, %dma_start3A_381] : memref<30522x768xf32, #tpu.memory_space<hbm>> -> memref<30522x768xf32, #tpu.memory_space<hbm>>
    tpu.enqueue_indirect_dma source(%dma_start3A_382 : memref<30522x768xf32, #tpu.memory_space<hbm>>) target(%dma_start3A_377 : memref<32x768xf32, #tpu.memory_space<vmem>>) offsets(%dma_start3A_379 : memref<32xi32, #tpu.memory_space<vmem>>) semaphore(%arg10 : memref<!tpu.dma_semaphore, #tpu.memory_space<semaphore_mem>>)
    %dma_wait3A_383 = arith.constant 0 : i32
    %dma_wait3A_384 = arith.constant 0 : i32
    %dma_wait3A_385 = tpu.memref_slice %arg6[%dma_wait3A_383, %dma_wait3A_384] : memref<128x768xf32, #tpu.memory_space<vmem>> -> memref<32x768xf32, #tpu.memory_space<vmem>>
    %dma_wait3A_386 = arith.constant 256 : i32
    %dma_wait3A_387 = tpu.memref_slice %arg5[%dma_wait3A_386] : memref<512xi32, #tpu.memory_space<vmem>> -> memref<32xi32, #tpu.memory_space<vmem>>
    %dma_wait3A_388 = arith.constant 0 : i32
    %dma_wait3A_389 = arith.constant 0 : i32
    %dma_wait3A_390 = tpu.memref_slice %arg2[%dma_wait3A_388, %dma_wait3A_389] : memref<30522x768xf32, #tpu.memory_space<hbm>> -> memref<30522x768xf32, #tpu.memory_space<hbm>>
    tpu.wait_indirect_dma semaphore(%arg7 : memref<!tpu.dma_semaphore, #tpu.memory_space<semaphore_mem>>) src(%dma_wait3A_390 : memref<30522x768xf32, #tpu.memory_space<hbm>>) dst(%dma_wait3A_385 : memref<32x768xf32, #tpu.memory_space<vmem>>)
    %dma_start3A_391 = arith.constant 0 : i32
    %dma_start3A_392 = arith.constant 0 : i32
    %dma_start3A_393 = tpu.memref_slice %arg6[%dma_start3A_391, %dma_start3A_392] : memref<128x768xf32, #tpu.memory_space<vmem>> -> memref<32x768xf32, #tpu.memory_space<vmem>>
    %dma_start3A_394 = arith.constant 256 : i32
    %dma_start3A_395 = arith.constant 0 : i32
    %dma_start3A_396 = tpu.memref_slice %arg4[%add3A, %dma_start3A_394, %dma_start3A_395] : memref<32x512x768xf32, #tpu.memory_space<hbm>> -> memref<1x32x768xf32, #tpu.memory_space<hbm>>
    %dma_start3A_397 = tpu.memref_squeeze %dma_start3A_396 : memref<1x32x768xf32, #tpu.memory_space<hbm>> -> memref<32x768xf32, #tpu.memory_space<hbm>>
    %dma_start3A_398 = arith.constant 256 : i32
    %dma_start3A_399 = arith.constant 0 : i32
    %dma_start3A_400 = tpu.memref_slice %arg4[%add3A, %dma_start3A_398, %dma_start3A_399] : memref<32x512x768xf32, #tpu.memory_space<hbm>> -> memref<1x32x768xf32, #tpu.memory_space<hbm>>
    %dma_start3A_401 = tpu.memref_squeeze %dma_start3A_400 : memref<1x32x768xf32, #tpu.memory_space<hbm>> -> memref<32x768xf32, #tpu.memory_space<hbm>>
    %dma_start3A_402 = arith.constant 0 : i32
    %dma_start3A_403 = arith.constant 0 : i32
    %dma_start3A_404 = tpu.memref_slice %arg6[%dma_start3A_402, %dma_start3A_403] : memref<128x768xf32, #tpu.memory_space<vmem>> -> memref<32x768xf32, #tpu.memory_space<vmem>>
    tpu.enqueue_dma source(%dma_start3A_404 : memref<32x768xf32, #tpu.memory_space<vmem>>) target(%dma_start3A_401 : memref<32x768xf32, #tpu.memory_space<hbm>>) target_semaphore(%arg11 : memref<!tpu.dma_semaphore, #tpu.memory_space<semaphore_mem>>)
    %dma_wait3A_405 = arith.constant 0 : i32
    %dma_wait3A_406 = arith.constant 0 : i32
    %dma_wait3A_407 = tpu.memref_slice %arg6[%dma_wait3A_405, %dma_wait3A_406] : memref<128x768xf32, #tpu.memory_space<vmem>> -> memref<32x768xf32, #tpu.memory_space<vmem>>
    %dma_wait3A_408 = arith.constant 256 : i32
    %dma_wait3A_409 = arith.constant 0 : i32
    %dma_wait3A_410 = tpu.memref_slice %arg4[%add3A, %dma_wait3A_408, %dma_wait3A_409] : memref<32x512x768xf32, #tpu.memory_space<hbm>> -> memref<1x32x768xf32, #tpu.memory_space<hbm>>
    %dma_wait3A_411 = tpu.memref_squeeze %dma_wait3A_410 : memref<1x32x768xf32, #tpu.memory_space<hbm>> -> memref<32x768xf32, #tpu.memory_space<hbm>>
    %dma_wait3A_412 = arith.constant 256 : i32
    %dma_wait3A_413 = arith.constant 0 : i32
    %dma_wait3A_414 = tpu.memref_slice %arg4[%add3A, %dma_wait3A_412, %dma_wait3A_413] : memref<32x512x768xf32, #tpu.memory_space<hbm>> -> memref<1x32x768xf32, #tpu.memory_space<hbm>>
    %dma_wait3A_415 = tpu.memref_squeeze %dma_wait3A_414 : memref<1x32x768xf32, #tpu.memory_space<hbm>> -> memref<32x768xf32, #tpu.memory_space<hbm>>
    %dma_wait3A_416 = arith.constant 0 : i32
    %dma_wait3A_417 = arith.constant 0 : i32
    %dma_wait3A_418 = tpu.memref_slice %arg6[%dma_wait3A_416, %dma_wait3A_417] : memref<128x768xf32, #tpu.memory_space<vmem>> -> memref<32x768xf32, #tpu.memory_space<vmem>>
    tpu.wait_dma2 semaphore(%arg11 : memref<!tpu.dma_semaphore, #tpu.memory_space<semaphore_mem>>) src(%dma_wait3A_418 : memref<32x768xf32, #tpu.memory_space<vmem>>) dst(%dma_wait3A_415 : memref<32x768xf32, #tpu.memory_space<hbm>>)
    %dma_start3A_419 = arith.constant 0 : i32
    %dma_start3A_420 = arith.constant 0 : i32
    %dma_start3A_421 = tpu.memref_slice %arg6[%dma_start3A_419, %dma_start3A_420] : memref<128x768xf32, #tpu.memory_space<vmem>> -> memref<32x768xf32, #tpu.memory_space<vmem>>
    %dma_start3A_422 = arith.constant 384 : i32
    %dma_start3A_423 = tpu.memref_slice %arg5[%dma_start3A_422] : memref<512xi32, #tpu.memory_space<vmem>> -> memref<32xi32, #tpu.memory_space<vmem>>
    %dma_start3A_424 = arith.constant 0 : i32
    %dma_start3A_425 = arith.constant 0 : i32
    %dma_start3A_426 = tpu.memref_slice %arg2[%dma_start3A_424, %dma_start3A_425] : memref<30522x768xf32, #tpu.memory_space<hbm>> -> memref<30522x768xf32, #tpu.memory_space<hbm>>
    tpu.enqueue_indirect_dma source(%dma_start3A_426 : memref<30522x768xf32, #tpu.memory_space<hbm>>) target(%dma_start3A_421 : memref<32x768xf32, #tpu.memory_space<vmem>>) offsets(%dma_start3A_423 : memref<32xi32, #tpu.memory_space<vmem>>) semaphore(%arg7 : memref<!tpu.dma_semaphore, #tpu.memory_space<semaphore_mem>>)
    %dma_wait3A_427 = arith.constant 32 : i32
    %dma_wait3A_428 = arith.constant 0 : i32
    %dma_wait3A_429 = tpu.memref_slice %arg6[%dma_wait3A_427, %dma_wait3A_428] : memref<128x768xf32, #tpu.memory_space<vmem>> -> memref<32x768xf32, #tpu.memory_space<vmem>>
    %dma_wait3A_430 = arith.constant 288 : i32
    %dma_wait3A_431 = tpu.memref_slice %arg5[%dma_wait3A_430] : memref<512xi32, #tpu.memory_space<vmem>> -> memref<32xi32, #tpu.memory_space<vmem>>
    %dma_wait3A_432 = arith.constant 0 : i32
    %dma_wait3A_433 = arith.constant 0 : i32
    %dma_wait3A_434 = tpu.memref_slice %arg2[%dma_wait3A_432, %dma_wait3A_433] : memref<30522x768xf32, #tpu.memory_space<hbm>> -> memref<30522x768xf32, #tpu.memory_space<hbm>>
    tpu.wait_indirect_dma semaphore(%arg8 : memref<!tpu.dma_semaphore, #tpu.memory_space<semaphore_mem>>) src(%dma_wait3A_434 : memref<30522x768xf32, #tpu.memory_space<hbm>>) dst(%dma_wait3A_429 : memref<32x768xf32, #tpu.memory_space<vmem>>)
    %dma_start3A_435 = arith.constant 32 : i32
    %dma_start3A_436 = arith.constant 0 : i32
    %dma_start3A_437 = tpu.memref_slice %arg6[%dma_start3A_435, %dma_start3A_436] : memref<128x768xf32, #tpu.memory_space<vmem>> -> memref<32x768xf32, #tpu.memory_space<vmem>>
    %dma_start3A_438 = arith.constant 288 : i32
    %dma_start3A_439 = arith.constant 0 : i32
    %dma_start3A_440 = tpu.memref_slice %arg4[%add3A, %dma_start3A_438, %dma_start3A_439] : memref<32x512x768xf32, #tpu.memory_space<hbm>> -> memref<1x32x768xf32, #tpu.memory_space<hbm>>
    %dma_start3A_441 = tpu.memref_squeeze %dma_start3A_440 : memref<1x32x768xf32, #tpu.memory_space<hbm>> -> memref<32x768xf32, #tpu.memory_space<hbm>>
    %dma_start3A_442 = arith.constant 288 : i32
    %dma_start3A_443 = arith.constant 0 : i32
    %dma_start3A_444 = tpu.memref_slice %arg4[%add3A, %dma_start3A_442, %dma_start3A_443] : memref<32x512x768xf32, #tpu.memory_space<hbm>> -> memref<1x32x768xf32, #tpu.memory_space<hbm>>
    %dma_start3A_445 = tpu.memref_squeeze %dma_start3A_444 : memref<1x32x768xf32, #tpu.memory_space<hbm>> -> memref<32x768xf32, #tpu.memory_space<hbm>>
    %dma_start3A_446 = arith.constant 32 : i32
    %dma_start3A_447 = arith.constant 0 : i32
    %dma_start3A_448 = tpu.memref_slice %arg6[%dma_start3A_446, %dma_start3A_447] : memref<128x768xf32, #tpu.memory_space<vmem>> -> memref<32x768xf32, #tpu.memory_space<vmem>>
    tpu.enqueue_dma source(%dma_start3A_448 : memref<32x768xf32, #tpu.memory_space<vmem>>) target(%dma_start3A_445 : memref<32x768xf32, #tpu.memory_space<hbm>>) target_semaphore(%arg12 : memref<!tpu.dma_semaphore, #tpu.memory_space<semaphore_mem>>)
    %dma_wait3A_449 = arith.constant 32 : i32
    %dma_wait3A_450 = arith.constant 0 : i32
    %dma_wait3A_451 = tpu.memref_slice %arg6[%dma_wait3A_449, %dma_wait3A_450] : memref<128x768xf32, #tpu.memory_space<vmem>> -> memref<32x768xf32, #tpu.memory_space<vmem>>
    %dma_wait3A_452 = arith.constant 288 : i32
    %dma_wait3A_453 = arith.constant 0 : i32
    %dma_wait3A_454 = tpu.memref_slice %arg4[%add3A, %dma_wait3A_452, %dma_wait3A_453] : memref<32x512x768xf32, #tpu.memory_space<hbm>> -> memref<1x32x768xf32, #tpu.memory_space<hbm>>
    %dma_wait3A_455 = tpu.memref_squeeze %dma_wait3A_454 : memref<1x32x768xf32, #tpu.memory_space<hbm>> -> memref<32x768xf32, #tpu.memory_space<hbm>>
    %dma_wait3A_456 = arith.constant 288 : i32
    %dma_wait3A_457 = arith.constant 0 : i32
    %dma_wait3A_458 = tpu.memref_slice %arg4[%add3A, %dma_wait3A_456, %dma_wait3A_457] : memref<32x512x768xf32, #tpu.memory_space<hbm>> -> memref<1x32x768xf32, #tpu.memory_space<hbm>>
    %dma_wait3A_459 = tpu.memref_squeeze %dma_wait3A_458 : memref<1x32x768xf32, #tpu.memory_space<hbm>> -> memref<32x768xf32, #tpu.memory_space<hbm>>
    %dma_wait3A_460 = arith.constant 32 : i32
    %dma_wait3A_461 = arith.constant 0 : i32
    %dma_wait3A_462 = tpu.memref_slice %arg6[%dma_wait3A_460, %dma_wait3A_461] : memref<128x768xf32, #tpu.memory_space<vmem>> -> memref<32x768xf32, #tpu.memory_space<vmem>>
    tpu.wait_dma2 semaphore(%arg12 : memref<!tpu.dma_semaphore, #tpu.memory_space<semaphore_mem>>) src(%dma_wait3A_462 : memref<32x768xf32, #tpu.memory_space<vmem>>) dst(%dma_wait3A_459 : memref<32x768xf32, #tpu.memory_space<hbm>>)
    %dma_start3A_463 = arith.constant 32 : i32
    %dma_start3A_464 = arith.constant 0 : i32
    %dma_start3A_465 = tpu.memref_slice %arg6[%dma_start3A_463, %dma_start3A_464] : memref<128x768xf32, #tpu.memory_space<vmem>> -> memref<32x768xf32, #tpu.memory_space<vmem>>
    %dma_start3A_466 = arith.constant 416 : i32
    %dma_start3A_467 = tpu.memref_slice %arg5[%dma_start3A_466] : memref<512xi32, #tpu.memory_space<vmem>> -> memref<32xi32, #tpu.memory_space<vmem>>
    %dma_start3A_468 = arith.constant 0 : i32
    %dma_start3A_469 = arith.constant 0 : i32
    %dma_start3A_470 = tpu.memref_slice %arg2[%dma_start3A_468, %dma_start3A_469] : memref<30522x768xf32, #tpu.memory_space<hbm>> -> memref<30522x768xf32, #tpu.memory_space<hbm>>
    tpu.enqueue_indirect_dma source(%dma_start3A_470 : memref<30522x768xf32, #tpu.memory_space<hbm>>) target(%dma_start3A_465 : memref<32x768xf32, #tpu.memory_space<vmem>>) offsets(%dma_start3A_467 : memref<32xi32, #tpu.memory_space<vmem>>) semaphore(%arg8 : memref<!tpu.dma_semaphore, #tpu.memory_space<semaphore_mem>>)
    %dma_wait3A_471 = arith.constant 64 : i32
    %dma_wait3A_472 = arith.constant 0 : i32
    %dma_wait3A_473 = tpu.memref_slice %arg6[%dma_wait3A_471, %dma_wait3A_472] : memref<128x768xf32, #tpu.memory_space<vmem>> -> memref<32x768xf32, #tpu.memory_space<vmem>>
    %dma_wait3A_474 = arith.constant 320 : i32
    %dma_wait3A_475 = tpu.memref_slice %arg5[%dma_wait3A_474] : memref<512xi32, #tpu.memory_space<vmem>> -> memref<32xi32, #tpu.memory_space<vmem>>
    %dma_wait3A_476 = arith.constant 0 : i32
    %dma_wait3A_477 = arith.constant 0 : i32
    %dma_wait3A_478 = tpu.memref_slice %arg2[%dma_wait3A_476, %dma_wait3A_477] : memref<30522x768xf32, #tpu.memory_space<hbm>> -> memref<30522x768xf32, #tpu.memory_space<hbm>>
    tpu.wait_indirect_dma semaphore(%arg9 : memref<!tpu.dma_semaphore, #tpu.memory_space<semaphore_mem>>) src(%dma_wait3A_478 : memref<30522x768xf32, #tpu.memory_space<hbm>>) dst(%dma_wait3A_473 : memref<32x768xf32, #tpu.memory_space<vmem>>)
    %dma_start3A_479 = arith.constant 64 : i32
    %dma_start3A_480 = arith.constant 0 : i32
    %dma_start3A_481 = tpu.memref_slice %arg6[%dma_start3A_479, %dma_start3A_480] : memref<128x768xf32, #tpu.memory_space<vmem>> -> memref<32x768xf32, #tpu.memory_space<vmem>>
    %dma_start3A_482 = arith.constant 320 : i32
    %dma_start3A_483 = arith.constant 0 : i32
    %dma_start3A_484 = tpu.memref_slice %arg4[%add3A, %dma_start3A_482, %dma_start3A_483] : memref<32x512x768xf32, #tpu.memory_space<hbm>> -> memref<1x32x768xf32, #tpu.memory_space<hbm>>
    %dma_start3A_485 = tpu.memref_squeeze %dma_start3A_484 : memref<1x32x768xf32, #tpu.memory_space<hbm>> -> memref<32x768xf32, #tpu.memory_space<hbm>>
    %dma_start3A_486 = arith.constant 320 : i32
    %dma_start3A_487 = arith.constant 0 : i32
    %dma_start3A_488 = tpu.memref_slice %arg4[%add3A, %dma_start3A_486, %dma_start3A_487] : memref<32x512x768xf32, #tpu.memory_space<hbm>> -> memref<1x32x768xf32, #tpu.memory_space<hbm>>
    %dma_start3A_489 = tpu.memref_squeeze %dma_start3A_488 : memref<1x32x768xf32, #tpu.memory_space<hbm>> -> memref<32x768xf32, #tpu.memory_space<hbm>>
    %dma_start3A_490 = arith.constant 64 : i32
    %dma_start3A_491 = arith.constant 0 : i32
    %dma_start3A_492 = tpu.memref_slice %arg6[%dma_start3A_490, %dma_start3A_491] : memref<128x768xf32, #tpu.memory_space<vmem>> -> memref<32x768xf32, #tpu.memory_space<vmem>>
    tpu.enqueue_dma source(%dma_start3A_492 : memref<32x768xf32, #tpu.memory_space<vmem>>) target(%dma_start3A_489 : memref<32x768xf32, #tpu.memory_space<hbm>>) target_semaphore(%arg13 : memref<!tpu.dma_semaphore, #tpu.memory_space<semaphore_mem>>)
    %dma_wait3A_493 = arith.constant 64 : i32
    %dma_wait3A_494 = arith.constant 0 : i32
    %dma_wait3A_495 = tpu.memref_slice %arg6[%dma_wait3A_493, %dma_wait3A_494] : memref<128x768xf32, #tpu.memory_space<vmem>> -> memref<32x768xf32, #tpu.memory_space<vmem>>
    %dma_wait3A_496 = arith.constant 320 : i32
    %dma_wait3A_497 = arith.constant 0 : i32
    %dma_wait3A_498 = tpu.memref_slice %arg4[%add3A, %dma_wait3A_496, %dma_wait3A_497] : memref<32x512x768xf32, #tpu.memory_space<hbm>> -> memref<1x32x768xf32, #tpu.memory_space<hbm>>
    %dma_wait3A_499 = tpu.memref_squeeze %dma_wait3A_498 : memref<1x32x768xf32, #tpu.memory_space<hbm>> -> memref<32x768xf32, #tpu.memory_space<hbm>>
    %dma_wait3A_500 = arith.constant 320 : i32
    %dma_wait3A_501 = arith.constant 0 : i32
    %dma_wait3A_502 = tpu.memref_slice %arg4[%add3A, %dma_wait3A_500, %dma_wait3A_501] : memref<32x512x768xf32, #tpu.memory_space<hbm>> -> memref<1x32x768xf32, #tpu.memory_space<hbm>>
    %dma_wait3A_503 = tpu.memref_squeeze %dma_wait3A_502 : memref<1x32x768xf32, #tpu.memory_space<hbm>> -> memref<32x768xf32, #tpu.memory_space<hbm>>
    %dma_wait3A_504 = arith.constant 64 : i32
    %dma_wait3A_505 = arith.constant 0 : i32
    %dma_wait3A_506 = tpu.memref_slice %arg6[%dma_wait3A_504, %dma_wait3A_505] : memref<128x768xf32, #tpu.memory_space<vmem>> -> memref<32x768xf32, #tpu.memory_space<vmem>>
    tpu.wait_dma2 semaphore(%arg13 : memref<!tpu.dma_semaphore, #tpu.memory_space<semaphore_mem>>) src(%dma_wait3A_506 : memref<32x768xf32, #tpu.memory_space<vmem>>) dst(%dma_wait3A_503 : memref<32x768xf32, #tpu.memory_space<hbm>>)
    %dma_start3A_507 = arith.constant 64 : i32
    %dma_start3A_508 = arith.constant 0 : i32
    %dma_start3A_509 = tpu.memref_slice %arg6[%dma_start3A_507, %dma_start3A_508] : memref<128x768xf32, #tpu.memory_space<vmem>> -> memref<32x768xf32, #tpu.memory_space<vmem>>
    %dma_start3A_510 = arith.constant 448 : i32
    %dma_start3A_511 = tpu.memref_slice %arg5[%dma_start3A_510] : memref<512xi32, #tpu.memory_space<vmem>> -> memref<32xi32, #tpu.memory_space<vmem>>
    %dma_start3A_512 = arith.constant 0 : i32
    %dma_start3A_513 = arith.constant 0 : i32
    %dma_start3A_514 = tpu.memref_slice %arg2[%dma_start3A_512, %dma_start3A_513] : memref<30522x768xf32, #tpu.memory_space<hbm>> -> memref<30522x768xf32, #tpu.memory_space<hbm>>
    tpu.enqueue_indirect_dma source(%dma_start3A_514 : memref<30522x768xf32, #tpu.memory_space<hbm>>) target(%dma_start3A_509 : memref<32x768xf32, #tpu.memory_space<vmem>>) offsets(%dma_start3A_511 : memref<32xi32, #tpu.memory_space<vmem>>) semaphore(%arg9 : memref<!tpu.dma_semaphore, #tpu.memory_space<semaphore_mem>>)
    %dma_wait3A_515 = arith.constant 96 : i32
    %dma_wait3A_516 = arith.constant 0 : i32
    %dma_wait3A_517 = tpu.memref_slice %arg6[%dma_wait3A_515, %dma_wait3A_516] : memref<128x768xf32, #tpu.memory_space<vmem>> -> memref<32x768xf32, #tpu.memory_space<vmem>>
    %dma_wait3A_518 = arith.constant 352 : i32
    %dma_wait3A_519 = tpu.memref_slice %arg5[%dma_wait3A_518] : memref<512xi32, #tpu.memory_space<vmem>> -> memref<32xi32, #tpu.memory_space<vmem>>
    %dma_wait3A_520 = arith.constant 0 : i32
    %dma_wait3A_521 = arith.constant 0 : i32
    %dma_wait3A_522 = tpu.memref_slice %arg2[%dma_wait3A_520, %dma_wait3A_521] : memref<30522x768xf32, #tpu.memory_space<hbm>> -> memref<30522x768xf32, #tpu.memory_space<hbm>>
    tpu.wait_indirect_dma semaphore(%arg10 : memref<!tpu.dma_semaphore, #tpu.memory_space<semaphore_mem>>) src(%dma_wait3A_522 : memref<30522x768xf32, #tpu.memory_space<hbm>>) dst(%dma_wait3A_517 : memref<32x768xf32, #tpu.memory_space<vmem>>)
    %dma_start3A_523 = arith.constant 96 : i32
    %dma_start3A_524 = arith.constant 0 : i32
    %dma_start3A_525 = tpu.memref_slice %arg6[%dma_start3A_523, %dma_start3A_524] : memref<128x768xf32, #tpu.memory_space<vmem>> -> memref<32x768xf32, #tpu.memory_space<vmem>>
    %dma_start3A_526 = arith.constant 352 : i32
    %dma_start3A_527 = arith.constant 0 : i32
    %dma_start3A_528 = tpu.memref_slice %arg4[%add3A, %dma_start3A_526, %dma_start3A_527] : memref<32x512x768xf32, #tpu.memory_space<hbm>> -> memref<1x32x768xf32, #tpu.memory_space<hbm>>
    %dma_start3A_529 = tpu.memref_squeeze %dma_start3A_528 : memref<1x32x768xf32, #tpu.memory_space<hbm>> -> memref<32x768xf32, #tpu.memory_space<hbm>>
    %dma_start3A_530 = arith.constant 352 : i32
    %dma_start3A_531 = arith.constant 0 : i32
    %dma_start3A_532 = tpu.memref_slice %arg4[%add3A, %dma_start3A_530, %dma_start3A_531] : memref<32x512x768xf32, #tpu.memory_space<hbm>> -> memref<1x32x768xf32, #tpu.memory_space<hbm>>
    %dma_start3A_533 = tpu.memref_squeeze %dma_start3A_532 : memref<1x32x768xf32, #tpu.memory_space<hbm>> -> memref<32x768xf32, #tpu.memory_space<hbm>>
    %dma_start3A_534 = arith.constant 96 : i32
    %dma_start3A_535 = arith.constant 0 : i32
    %dma_start3A_536 = tpu.memref_slice %arg6[%dma_start3A_534, %dma_start3A_535] : memref<128x768xf32, #tpu.memory_space<vmem>> -> memref<32x768xf32, #tpu.memory_space<vmem>>
    tpu.enqueue_dma source(%dma_start3A_536 : memref<32x768xf32, #tpu.memory_space<vmem>>) target(%dma_start3A_533 : memref<32x768xf32, #tpu.memory_space<hbm>>) target_semaphore(%arg14 : memref<!tpu.dma_semaphore, #tpu.memory_space<semaphore_mem>>)
    %dma_wait3A_537 = arith.constant 96 : i32
    %dma_wait3A_538 = arith.constant 0 : i32
    %dma_wait3A_539 = tpu.memref_slice %arg6[%dma_wait3A_537, %dma_wait3A_538] : memref<128x768xf32, #tpu.memory_space<vmem>> -> memref<32x768xf32, #tpu.memory_space<vmem>>
    %dma_wait3A_540 = arith.constant 352 : i32
    %dma_wait3A_541 = arith.constant 0 : i32
    %dma_wait3A_542 = tpu.memref_slice %arg4[%add3A, %dma_wait3A_540, %dma_wait3A_541] : memref<32x512x768xf32, #tpu.memory_space<hbm>> -> memref<1x32x768xf32, #tpu.memory_space<hbm>>
    %dma_wait3A_543 = tpu.memref_squeeze %dma_wait3A_542 : memref<1x32x768xf32, #tpu.memory_space<hbm>> -> memref<32x768xf32, #tpu.memory_space<hbm>>
    %dma_wait3A_544 = arith.constant 352 : i32
    %dma_wait3A_545 = arith.constant 0 : i32
    %dma_wait3A_546 = tpu.memref_slice %arg4[%add3A, %dma_wait3A_544, %dma_wait3A_545] : memref<32x512x768xf32, #tpu.memory_space<hbm>> -> memref<1x32x768xf32, #tpu.memory_space<hbm>>
    %dma_wait3A_547 = tpu.memref_squeeze %dma_wait3A_546 : memref<1x32x768xf32, #tpu.memory_space<hbm>> -> memref<32x768xf32, #tpu.memory_space<hbm>>
    %dma_wait3A_548 = arith.constant 96 : i32
    %dma_wait3A_549 = arith.constant 0 : i32
    %dma_wait3A_550 = tpu.memref_slice %arg6[%dma_wait3A_548, %dma_wait3A_549] : memref<128x768xf32, #tpu.memory_space<vmem>> -> memref<32x768xf32, #tpu.memory_space<vmem>>
    tpu.wait_dma2 semaphore(%arg14 : memref<!tpu.dma_semaphore, #tpu.memory_space<semaphore_mem>>) src(%dma_wait3A_550 : memref<32x768xf32, #tpu.memory_space<vmem>>) dst(%dma_wait3A_547 : memref<32x768xf32, #tpu.memory_space<hbm>>)
    %dma_start3A_551 = arith.constant 96 : i32
    %dma_start3A_552 = arith.constant 0 : i32
    %dma_start3A_553 = tpu.memref_slice %arg6[%dma_start3A_551, %dma_start3A_552] : memref<128x768xf32, #tpu.memory_space<vmem>> -> memref<32x768xf32, #tpu.memory_space<vmem>>
    %dma_start3A_554 = arith.constant 480 : i32
    %dma_start3A_555 = tpu.memref_slice %arg5[%dma_start3A_554] : memref<512xi32, #tpu.memory_space<vmem>> -> memref<32xi32, #tpu.memory_space<vmem>>
    %dma_start3A_556 = arith.constant 0 : i32
    %dma_start3A_557 = arith.constant 0 : i32
    %dma_start3A_558 = tpu.memref_slice %arg2[%dma_start3A_556, %dma_start3A_557] : memref<30522x768xf32, #tpu.memory_space<hbm>> -> memref<30522x768xf32, #tpu.memory_space<hbm>>
    tpu.enqueue_indirect_dma source(%dma_start3A_558 : memref<30522x768xf32, #tpu.memory_space<hbm>>) target(%dma_start3A_553 : memref<32x768xf32, #tpu.memory_space<vmem>>) offsets(%dma_start3A_555 : memref<32xi32, #tpu.memory_space<vmem>>) semaphore(%arg10 : memref<!tpu.dma_semaphore, #tpu.memory_space<semaphore_mem>>)
    %dma_wait3A_559 = arith.constant 0 : i32
    %dma_wait3A_560 = arith.constant 0 : i32
    %dma_wait3A_561 = tpu.memref_slice %arg6[%dma_wait3A_559, %dma_wait3A_560] : memref<128x768xf32, #tpu.memory_space<vmem>> -> memref<32x768xf32, #tpu.memory_space<vmem>>
    %dma_wait3A_562 = arith.constant 384 : i32
    %dma_wait3A_563 = tpu.memref_slice %arg5[%dma_wait3A_562] : memref<512xi32, #tpu.memory_space<vmem>> -> memref<32xi32, #tpu.memory_space<vmem>>
    %dma_wait3A_564 = arith.constant 0 : i32
    %dma_wait3A_565 = arith.constant 0 : i32
    %dma_wait3A_566 = tpu.memref_slice %arg2[%dma_wait3A_564, %dma_wait3A_565] : memref<30522x768xf32, #tpu.memory_space<hbm>> -> memref<30522x768xf32, #tpu.memory_space<hbm>>
    tpu.wait_indirect_dma semaphore(%arg7 : memref<!tpu.dma_semaphore, #tpu.memory_space<semaphore_mem>>) src(%dma_wait3A_566 : memref<30522x768xf32, #tpu.memory_space<hbm>>) dst(%dma_wait3A_561 : memref<32x768xf32, #tpu.memory_space<vmem>>)
    %dma_start3A_567 = arith.constant 0 : i32
    %dma_start3A_568 = arith.constant 0 : i32
    %dma_start3A_569 = tpu.memref_slice %arg6[%dma_start3A_567, %dma_start3A_568] : memref<128x768xf32, #tpu.memory_space<vmem>> -> memref<32x768xf32, #tpu.memory_space<vmem>>
    %dma_start3A_570 = arith.constant 384 : i32
    %dma_start3A_571 = arith.constant 0 : i32
    %dma_start3A_572 = tpu.memref_slice %arg4[%add3A, %dma_start3A_570, %dma_start3A_571] : memref<32x512x768xf32, #tpu.memory_space<hbm>> -> memref<1x32x768xf32, #tpu.memory_space<hbm>>
    %dma_start3A_573 = tpu.memref_squeeze %dma_start3A_572 : memref<1x32x768xf32, #tpu.memory_space<hbm>> -> memref<32x768xf32, #tpu.memory_space<hbm>>
    %dma_start3A_574 = arith.constant 384 : i32
    %dma_start3A_575 = arith.constant 0 : i32
    %dma_start3A_576 = tpu.memref_slice %arg4[%add3A, %dma_start3A_574, %dma_start3A_575] : memref<32x512x768xf32, #tpu.memory_space<hbm>> -> memref<1x32x768xf32, #tpu.memory_space<hbm>>
    %dma_start3A_577 = tpu.memref_squeeze %dma_start3A_576 : memref<1x32x768xf32, #tpu.memory_space<hbm>> -> memref<32x768xf32, #tpu.memory_space<hbm>>
    %dma_start3A_578 = arith.constant 0 : i32
    %dma_start3A_579 = arith.constant 0 : i32
    %dma_start3A_580 = tpu.memref_slice %arg6[%dma_start3A_578, %dma_start3A_579] : memref<128x768xf32, #tpu.memory_space<vmem>> -> memref<32x768xf32, #tpu.memory_space<vmem>>
    tpu.enqueue_dma source(%dma_start3A_580 : memref<32x768xf32, #tpu.memory_space<vmem>>) target(%dma_start3A_577 : memref<32x768xf32, #tpu.memory_space<hbm>>) target_semaphore(%arg11 : memref<!tpu.dma_semaphore, #tpu.memory_space<semaphore_mem>>)
    %dma_wait3A_581 = arith.constant 32 : i32
    %dma_wait3A_582 = arith.constant 0 : i32
    %dma_wait3A_583 = tpu.memref_slice %arg6[%dma_wait3A_581, %dma_wait3A_582] : memref<128x768xf32, #tpu.memory_space<vmem>> -> memref<32x768xf32, #tpu.memory_space<vmem>>
    %dma_wait3A_584 = arith.constant 416 : i32
    %dma_wait3A_585 = tpu.memref_slice %arg5[%dma_wait3A_584] : memref<512xi32, #tpu.memory_space<vmem>> -> memref<32xi32, #tpu.memory_space<vmem>>
    %dma_wait3A_586 = arith.constant 0 : i32
    %dma_wait3A_587 = arith.constant 0 : i32
    %dma_wait3A_588 = tpu.memref_slice %arg2[%dma_wait3A_586, %dma_wait3A_587] : memref<30522x768xf32, #tpu.memory_space<hbm>> -> memref<30522x768xf32, #tpu.memory_space<hbm>>
    tpu.wait_indirect_dma semaphore(%arg8 : memref<!tpu.dma_semaphore, #tpu.memory_space<semaphore_mem>>) src(%dma_wait3A_588 : memref<30522x768xf32, #tpu.memory_space<hbm>>) dst(%dma_wait3A_583 : memref<32x768xf32, #tpu.memory_space<vmem>>)
    %dma_start3A_589 = arith.constant 32 : i32
    %dma_start3A_590 = arith.constant 0 : i32
    %dma_start3A_591 = tpu.memref_slice %arg6[%dma_start3A_589, %dma_start3A_590] : memref<128x768xf32, #tpu.memory_space<vmem>> -> memref<32x768xf32, #tpu.memory_space<vmem>>
    %dma_start3A_592 = arith.constant 416 : i32
    %dma_start3A_593 = arith.constant 0 : i32
    %dma_start3A_594 = tpu.memref_slice %arg4[%add3A, %dma_start3A_592, %dma_start3A_593] : memref<32x512x768xf32, #tpu.memory_space<hbm>> -> memref<1x32x768xf32, #tpu.memory_space<hbm>>
    %dma_start3A_595 = tpu.memref_squeeze %dma_start3A_594 : memref<1x32x768xf32, #tpu.memory_space<hbm>> -> memref<32x768xf32, #tpu.memory_space<hbm>>
    %dma_start3A_596 = arith.constant 416 : i32
    %dma_start3A_597 = arith.constant 0 : i32
    %dma_start3A_598 = tpu.memref_slice %arg4[%add3A, %dma_start3A_596, %dma_start3A_597] : memref<32x512x768xf32, #tpu.memory_space<hbm>> -> memref<1x32x768xf32, #tpu.memory_space<hbm>>
    %dma_start3A_599 = tpu.memref_squeeze %dma_start3A_598 : memref<1x32x768xf32, #tpu.memory_space<hbm>> -> memref<32x768xf32, #tpu.memory_space<hbm>>
    %dma_start3A_600 = arith.constant 32 : i32
    %dma_start3A_601 = arith.constant 0 : i32
    %dma_start3A_602 = tpu.memref_slice %arg6[%dma_start3A_600, %dma_start3A_601] : memref<128x768xf32, #tpu.memory_space<vmem>> -> memref<32x768xf32, #tpu.memory_space<vmem>>
    tpu.enqueue_dma source(%dma_start3A_602 : memref<32x768xf32, #tpu.memory_space<vmem>>) target(%dma_start3A_599 : memref<32x768xf32, #tpu.memory_space<hbm>>) target_semaphore(%arg12 : memref<!tpu.dma_semaphore, #tpu.memory_space<semaphore_mem>>)
    %dma_wait3A_603 = arith.constant 64 : i32
    %dma_wait3A_604 = arith.constant 0 : i32
    %dma_wait3A_605 = tpu.memref_slice %arg6[%dma_wait3A_603, %dma_wait3A_604] : memref<128x768xf32, #tpu.memory_space<vmem>> -> memref<32x768xf32, #tpu.memory_space<vmem>>
    %dma_wait3A_606 = arith.constant 448 : i32
    %dma_wait3A_607 = tpu.memref_slice %arg5[%dma_wait3A_606] : memref<512xi32, #tpu.memory_space<vmem>> -> memref<32xi32, #tpu.memory_space<vmem>>
    %dma_wait3A_608 = arith.constant 0 : i32
    %dma_wait3A_609 = arith.constant 0 : i32
    %dma_wait3A_610 = tpu.memref_slice %arg2[%dma_wait3A_608, %dma_wait3A_609] : memref<30522x768xf32, #tpu.memory_space<hbm>> -> memref<30522x768xf32, #tpu.memory_space<hbm>>
    tpu.wait_indirect_dma semaphore(%arg9 : memref<!tpu.dma_semaphore, #tpu.memory_space<semaphore_mem>>) src(%dma_wait3A_610 : memref<30522x768xf32, #tpu.memory_space<hbm>>) dst(%dma_wait3A_605 : memref<32x768xf32, #tpu.memory_space<vmem>>)
    %dma_start3A_611 = arith.constant 64 : i32
    %dma_start3A_612 = arith.constant 0 : i32
    %dma_start3A_613 = tpu.memref_slice %arg6[%dma_start3A_611, %dma_start3A_612] : memref<128x768xf32, #tpu.memory_space<vmem>> -> memref<32x768xf32, #tpu.memory_space<vmem>>
    %dma_start3A_614 = arith.constant 448 : i32
    %dma_start3A_615 = arith.constant 0 : i32
    %dma_start3A_616 = tpu.memref_slice %arg4[%add3A, %dma_start3A_614, %dma_start3A_615] : memref<32x512x768xf32, #tpu.memory_space<hbm>> -> memref<1x32x768xf32, #tpu.memory_space<hbm>>
    %dma_start3A_617 = tpu.memref_squeeze %dma_start3A_616 : memref<1x32x768xf32, #tpu.memory_space<hbm>> -> memref<32x768xf32, #tpu.memory_space<hbm>>
    %dma_start3A_618 = arith.constant 448 : i32
    %dma_start3A_619 = arith.constant 0 : i32
    %dma_start3A_620 = tpu.memref_slice %arg4[%add3A, %dma_start3A_618, %dma_start3A_619] : memref<32x512x768xf32, #tpu.memory_space<hbm>> -> memref<1x32x768xf32, #tpu.memory_space<hbm>>
    %dma_start3A_621 = tpu.memref_squeeze %dma_start3A_620 : memref<1x32x768xf32, #tpu.memory_space<hbm>> -> memref<32x768xf32, #tpu.memory_space<hbm>>
    %dma_start3A_622 = arith.constant 64 : i32
    %dma_start3A_623 = arith.constant 0 : i32
    %dma_start3A_624 = tpu.memref_slice %arg6[%dma_start3A_622, %dma_start3A_623] : memref<128x768xf32, #tpu.memory_space<vmem>> -> memref<32x768xf32, #tpu.memory_space<vmem>>
    tpu.enqueue_dma source(%dma_start3A_624 : memref<32x768xf32, #tpu.memory_space<vmem>>) target(%dma_start3A_621 : memref<32x768xf32, #tpu.memory_space<hbm>>) target_semaphore(%arg13 : memref<!tpu.dma_semaphore, #tpu.memory_space<semaphore_mem>>)
    %dma_wait3A_625 = arith.constant 96 : i32
    %dma_wait3A_626 = arith.constant 0 : i32
    %dma_wait3A_627 = tpu.memref_slice %arg6[%dma_wait3A_625, %dma_wait3A_626] : memref<128x768xf32, #tpu.memory_space<vmem>> -> memref<32x768xf32, #tpu.memory_space<vmem>>
    %dma_wait3A_628 = arith.constant 480 : i32
    %dma_wait3A_629 = tpu.memref_slice %arg5[%dma_wait3A_628] : memref<512xi32, #tpu.memory_space<vmem>> -> memref<32xi32, #tpu.memory_space<vmem>>
    %dma_wait3A_630 = arith.constant 0 : i32
    %dma_wait3A_631 = arith.constant 0 : i32
    %dma_wait3A_632 = tpu.memref_slice %arg2[%dma_wait3A_630, %dma_wait3A_631] : memref<30522x768xf32, #tpu.memory_space<hbm>> -> memref<30522x768xf32, #tpu.memory_space<hbm>>
    tpu.wait_indirect_dma semaphore(%arg10 : memref<!tpu.dma_semaphore, #tpu.memory_space<semaphore_mem>>) src(%dma_wait3A_632 : memref<30522x768xf32, #tpu.memory_space<hbm>>) dst(%dma_wait3A_627 : memref<32x768xf32, #tpu.memory_space<vmem>>)
    %dma_start3A_633 = arith.constant 96 : i32
    %dma_start3A_634 = arith.constant 0 : i32
    %dma_start3A_635 = tpu.memref_slice %arg6[%dma_start3A_633, %dma_start3A_634] : memref<128x768xf32, #tpu.memory_space<vmem>> -> memref<32x768xf32, #tpu.memory_space<vmem>>
    %dma_start3A_636 = arith.constant 480 : i32
    %dma_start3A_637 = arith.constant 0 : i32
    %dma_start3A_638 = tpu.memref_slice %arg4[%add3A, %dma_start3A_636, %dma_start3A_637] : memref<32x512x768xf32, #tpu.memory_space<hbm>> -> memref<1x32x768xf32, #tpu.memory_space<hbm>>
    %dma_start3A_639 = tpu.memref_squeeze %dma_start3A_638 : memref<1x32x768xf32, #tpu.memory_space<hbm>> -> memref<32x768xf32, #tpu.memory_space<hbm>>
    %dma_start3A_640 = arith.constant 480 : i32
    %dma_start3A_641 = arith.constant 0 : i32
    %dma_start3A_642 = tpu.memref_slice %arg4[%add3A, %dma_start3A_640, %dma_start3A_641] : memref<32x512x768xf32, #tpu.memory_space<hbm>> -> memref<1x32x768xf32, #tpu.memory_space<hbm>>
    %dma_start3A_643 = tpu.memref_squeeze %dma_start3A_642 : memref<1x32x768xf32, #tpu.memory_space<hbm>> -> memref<32x768xf32, #tpu.memory_space<hbm>>
    %dma_start3A_644 = arith.constant 96 : i32
    %dma_start3A_645 = arith.constant 0 : i32
    %dma_start3A_646 = tpu.memref_slice %arg6[%dma_start3A_644, %dma_start3A_645] : memref<128x768xf32, #tpu.memory_space<vmem>> -> memref<32x768xf32, #tpu.memory_space<vmem>>
    tpu.enqueue_dma source(%dma_start3A_646 : memref<32x768xf32, #tpu.memory_space<vmem>>) target(%dma_start3A_643 : memref<32x768xf32, #tpu.memory_space<hbm>>) target_semaphore(%arg14 : memref<!tpu.dma_semaphore, #tpu.memory_space<semaphore_mem>>)
    %dma_wait3A_647 = arith.constant 0 : i32
    %dma_wait3A_648 = arith.constant 0 : i32
    %dma_wait3A_649 = tpu.memref_slice %arg6[%dma_wait3A_647, %dma_wait3A_648] : memref<128x768xf32, #tpu.memory_space<vmem>> -> memref<32x768xf32, #tpu.memory_space<vmem>>
    %dma_wait3A_650 = arith.constant 384 : i32
    %dma_wait3A_651 = arith.constant 0 : i32
    %dma_wait3A_652 = tpu.memref_slice %arg4[%add3A, %dma_wait3A_650, %dma_wait3A_651] : memref<32x512x768xf32, #tpu.memory_space<hbm>> -> memref<1x32x768xf32, #tpu.memory_space<hbm>>
    %dma_wait3A_653 = tpu.memref_squeeze %dma_wait3A_652 : memref<1x32x768xf32, #tpu.memory_space<hbm>> -> memref<32x768xf32, #tpu.memory_space<hbm>>
    %dma_wait3A_654 = arith.constant 384 : i32
    %dma_wait3A_655 = arith.constant 0 : i32
    %dma_wait3A_656 = tpu.memref_slice %arg4[%add3A, %dma_wait3A_654, %dma_wait3A_655] : memref<32x512x768xf32, #tpu.memory_space<hbm>> -> memref<1x32x768xf32, #tpu.memory_space<hbm>>
    %dma_wait3A_657 = tpu.memref_squeeze %dma_wait3A_656 : memref<1x32x768xf32, #tpu.memory_space<hbm>> -> memref<32x768xf32, #tpu.memory_space<hbm>>
    %dma_wait3A_658 = arith.constant 0 : i32
    %dma_wait3A_659 = arith.constant 0 : i32
    %dma_wait3A_660 = tpu.memref_slice %arg6[%dma_wait3A_658, %dma_wait3A_659] : memref<128x768xf32, #tpu.memory_space<vmem>> -> memref<32x768xf32, #tpu.memory_space<vmem>>
    tpu.wait_dma2 semaphore(%arg11 : memref<!tpu.dma_semaphore, #tpu.memory_space<semaphore_mem>>) src(%dma_wait3A_660 : memref<32x768xf32, #tpu.memory_space<vmem>>) dst(%dma_wait3A_657 : memref<32x768xf32, #tpu.memory_space<hbm>>)
    %dma_wait3A_661 = arith.constant 32 : i32
    %dma_wait3A_662 = arith.constant 0 : i32
    %dma_wait3A_663 = tpu.memref_slice %arg6[%dma_wait3A_661, %dma_wait3A_662] : memref<128x768xf32, #tpu.memory_space<vmem>> -> memref<32x768xf32, #tpu.memory_space<vmem>>
    %dma_wait3A_664 = arith.constant 416 : i32
    %dma_wait3A_665 = arith.constant 0 : i32
    %dma_wait3A_666 = tpu.memref_slice %arg4[%add3A, %dma_wait3A_664, %dma_wait3A_665] : memref<32x512x768xf32, #tpu.memory_space<hbm>> -> memref<1x32x768xf32, #tpu.memory_space<hbm>>
    %dma_wait3A_667 = tpu.memref_squeeze %dma_wait3A_666 : memref<1x32x768xf32, #tpu.memory_space<hbm>> -> memref<32x768xf32, #tpu.memory_space<hbm>>
    %dma_wait3A_668 = arith.constant 416 : i32
    %dma_wait3A_669 = arith.constant 0 : i32
    %dma_wait3A_670 = tpu.memref_slice %arg4[%add3A, %dma_wait3A_668, %dma_wait3A_669] : memref<32x512x768xf32, #tpu.memory_space<hbm>> -> memref<1x32x768xf32, #tpu.memory_space<hbm>>
    %dma_wait3A_671 = tpu.memref_squeeze %dma_wait3A_670 : memref<1x32x768xf32, #tpu.memory_space<hbm>> -> memref<32x768xf32, #tpu.memory_space<hbm>>
    %dma_wait3A_672 = arith.constant 32 : i32
    %dma_wait3A_673 = arith.constant 0 : i32
    %dma_wait3A_674 = tpu.memref_slice %arg6[%dma_wait3A_672, %dma_wait3A_673] : memref<128x768xf32, #tpu.memory_space<vmem>> -> memref<32x768xf32, #tpu.memory_space<vmem>>
    tpu.wait_dma2 semaphore(%arg12 : memref<!tpu.dma_semaphore, #tpu.memory_space<semaphore_mem>>) src(%dma_wait3A_674 : memref<32x768xf32, #tpu.memory_space<vmem>>) dst(%dma_wait3A_671 : memref<32x768xf32, #tpu.memory_space<hbm>>)
    %dma_wait3A_675 = arith.constant 64 : i32
    %dma_wait3A_676 = arith.constant 0 : i32
    %dma_wait3A_677 = tpu.memref_slice %arg6[%dma_wait3A_675, %dma_wait3A_676] : memref<128x768xf32, #tpu.memory_space<vmem>> -> memref<32x768xf32, #tpu.memory_space<vmem>>
    %dma_wait3A_678 = arith.constant 448 : i32
    %dma_wait3A_679 = arith.constant 0 : i32
    %dma_wait3A_680 = tpu.memref_slice %arg4[%add3A, %dma_wait3A_678, %dma_wait3A_679] : memref<32x512x768xf32, #tpu.memory_space<hbm>> -> memref<1x32x768xf32, #tpu.memory_space<hbm>>
    %dma_wait3A_681 = tpu.memref_squeeze %dma_wait3A_680 : memref<1x32x768xf32, #tpu.memory_space<hbm>> -> memref<32x768xf32, #tpu.memory_space<hbm>>
    %dma_wait3A_682 = arith.constant 448 : i32
    %dma_wait3A_683 = arith.constant 0 : i32
    %dma_wait3A_684 = tpu.memref_slice %arg4[%add3A, %dma_wait3A_682, %dma_wait3A_683] : memref<32x512x768xf32, #tpu.memory_space<hbm>> -> memref<1x32x768xf32, #tpu.memory_space<hbm>>
    %dma_wait3A_685 = tpu.memref_squeeze %dma_wait3A_684 : memref<1x32x768xf32, #tpu.memory_space<hbm>> -> memref<32x768xf32, #tpu.memory_space<hbm>>
    %dma_wait3A_686 = arith.constant 64 : i32
    %dma_wait3A_687 = arith.constant 0 : i32
    %dma_wait3A_688 = tpu.memref_slice %arg6[%dma_wait3A_686, %dma_wait3A_687] : memref<128x768xf32, #tpu.memory_space<vmem>> -> memref<32x768xf32, #tpu.memory_space<vmem>>
    tpu.wait_dma2 semaphore(%arg13 : memref<!tpu.dma_semaphore, #tpu.memory_space<semaphore_mem>>) src(%dma_wait3A_688 : memref<32x768xf32, #tpu.memory_space<vmem>>) dst(%dma_wait3A_685 : memref<32x768xf32, #tpu.memory_space<hbm>>)
    %dma_wait3A_689 = arith.constant 96 : i32
    %dma_wait3A_690 = arith.constant 0 : i32
    %dma_wait3A_691 = tpu.memref_slice %arg6[%dma_wait3A_689, %dma_wait3A_690] : memref<128x768xf32, #tpu.memory_space<vmem>> -> memref<32x768xf32, #tpu.memory_space<vmem>>
    %dma_wait3A_692 = arith.constant 480 : i32
    %dma_wait3A_693 = arith.constant 0 : i32
    %dma_wait3A_694 = tpu.memref_slice %arg4[%add3A, %dma_wait3A_692, %dma_wait3A_693] : memref<32x512x768xf32, #tpu.memory_space<hbm>> -> memref<1x32x768xf32, #tpu.memory_space<hbm>>
    %dma_wait3A_695 = tpu.memref_squeeze %dma_wait3A_694 : memref<1x32x768xf32, #tpu.memory_space<hbm>> -> memref<32x768xf32, #tpu.memory_space<hbm>>
    %dma_wait3A_696 = arith.constant 480 : i32
    %dma_wait3A_697 = arith.constant 0 : i32
    %dma_wait3A_698 = tpu.memref_slice %arg4[%add3A, %dma_wait3A_696, %dma_wait3A_697] : memref<32x512x768xf32, #tpu.memory_space<hbm>> -> memref<1x32x768xf32, #tpu.memory_space<hbm>>
    %dma_wait3A_699 = tpu.memref_squeeze %dma_wait3A_698 : memref<1x32x768xf32, #tpu.memory_space<hbm>> -> memref<32x768xf32, #tpu.memory_space<hbm>>
    %dma_wait3A_700 = arith.constant 96 : i32
    %dma_wait3A_701 = arith.constant 0 : i32
    %dma_wait3A_702 = tpu.memref_slice %arg6[%dma_wait3A_700, %dma_wait3A_701] : memref<128x768xf32, #tpu.memory_space<vmem>> -> memref<32x768xf32, #tpu.memory_space<vmem>>
    tpu.wait_dma2 semaphore(%arg14 : memref<!tpu.dma_semaphore, #tpu.memory_space<semaphore_mem>>) src(%dma_wait3A_702 : memref<32x768xf32, #tpu.memory_space<vmem>>) dst(%dma_wait3A_699 : memref<32x768xf32, #tpu.memory_space<hbm>>)
    return
  }
}

</mosaic_0001>

<sc_bundles>
// kernel: kernel.3.cloned.1.call-start
scs
__scs_entry_jumppad:
0x0: {  	(pc) =	sbr.rel $0x88, $3  }
0x1: {  	(tag) =	ssettag $0x0;
	lr =	simm.s32 $0x1  }
0x2: {  	[smem:$0x3F9F] =	sst lr;
	_ =	strace $0xD0000000  }
0x3: {  	_ = 	snop  }
0x4: {  	_ = 	snop  }
0x5: {  	_ = 	snop  }
0x6: {  	_ = 	snop  }
0x7: {  	_ = 	snop  }
__scs_overlays_trampoline_lowered:
0x8: {  	[smem:$0x3FAE] =	sst s0  }
0x9: {  	[smem:$0x3FAF] =	sst s1  }
0xa: {  	[smem:$0x3FB0] =	sst s2  }
0xb: {  	[smem:$0x3FB1] =	sst s3  }
0xc: {  	[smem:$0x3FB2] =	sst s4  }
0xd: {  	[smem:$0x3FB3] =	sst s5  }
0xe: {  	[smem:$0x3FB4] =	sst s6  }
0xf: {  	[smem:$0x3FB5] =	sst s7  }
0x10: {  	[smem:$0x3FB6] =	sst s8  }
0x11: {  	[smem:$0x3FB7] =	sst s9;
	s0 =	simm.s32 @!p0 $0x0  }
0x12: {  	s1 =	sld [smem:$0x3F9D];
	s0 =	simm.s32 @p0 $0x1  }
0x13: {  	[smem:$0x3FB8] =	sst s0;
	s0 =	simm.s32 @!p1 $0x0  }
0x14: {  	s2 =	sld [smem:$0x3F9C];
	s0 =	simm.s32 @p1 $0x1  }
0x15: {  	[smem:$0x3FB9] =	sst s0;
	s0 =	simm.s32 @!p2 $0x0  }
0x16: {  	s3 =	sld [smem:$0x3FDB];
	s0 =	simm.s32 @p2 $0x1  }
0x17: {  	s4 =	simm.s32 $0x1BF5;
	[smem:$0x3FBB] =	sst s0  }
0x18: {  	s0 =	sld [smem:$0x3F9E];
	_ =	swait.ge [sflag:s4], $0x0  }
0x19: {  	s7 =	sld [smem:$0x3F9F]  }
0x1a: {  	s8 =	sadd.s32 $0xFFFFE003, lr  }
0x1b: {  	s9 =	sadd.s32 $0xFFFFFEF7, lr;
	s5 =	simm.s32 $0xFFFFFFFF;
	p2 =	slt.u32 s8, $0xFFFFF086  }
0x1c: {  	p1 =	slt.u32 s9, $0xF7A;
	s5 =	simm.s32 @!p2 $0x0  }
0x1d: {  	s5 =	simm.s32 @p1 $0x1;
	p0 =	seq.s32 s7, s2  }
0x1e: {  	s7 =	smul.u32 @!p0 $0xF7A, s2;
	p2 =	seq.s32 @!p0 s5, $0x0  }
0x1f: {  	s9 =	smul.u32 $0xF7A, s1;
	s8 =	simm.s32 @!p0 $0x1BF5;
	p2 =	por !p2, p0  }
0x20: {  	[sflag:s8] =	ssyncset.s32 @!p0 $0xFFFFF086;
	s6 =	sadd.s32 @!p0 s3, s7;
	s7 =	simm.s32 @!p0 $0x108  }
0x21: {  	s3 =	sadd.s32 s3, s9;
	s6 =	sadd.s32 @!p0 $0x88, s6;
	s7 =	simm.s32 @p2 $0x1082  }
0x22: {  	[simem:s7], [sflag:s8] =	dma.local @!p0 [hbm:s6], $0xF7A  }
0x23: {  	s9 =	sor.u32 $0xD0000000, s2;
	s6 =	simm.s32 $0x108;
	_ =	swait.ge @!p0 [sflag:s8], $0x0  }
0x24: {  	s3 =	sadd.s32 $0x88, s3;
	s6 =	simm.s32 @!p1 $0x1082;
	[sflag:s4] =	ssyncset.s32 $0xFFFFF086  }
0x25: {  	[simem:s6], [sflag:s4] =	dma.local [hbm:s3], $0xF7A  }
0x26: {  	[smem:$0x3F9F] =	sst s1;
	(tag) =	ssettag s2;
	_ =	strace s9  }
0x27: {  	s1 =	sld [smem:$0x3FAF]  }
0x28: {  	s2 =	sld [smem:$0x3FB0]  }
0x29: {  	s4 =	sld [smem:$0x3FB2]  }
0x2a: {  	p0 =	seq.s32 s5, $0x0;
	s5 =	sld [smem:$0x3FB3]  }
0x2b: {  	s6 =	sld [smem:$0x3FB4]  }
0x2c: {  	s7 =	sld [smem:$0x3FB5]  }
0x2d: {  	s3 =	simm.s32 $0x108;
	s8 =	sld [smem:$0x3FB6]  }
0x2e: {  	s3 =	simm.s32 @!p0 $0x1082;
	s9 =	sld [smem:$0x3FB7]  }
0x2f: {  	lr =	sadd.s32 s0, s3;
	s0 =	sld [smem:$0x3FAE]  }
0x30: {  	s3 =	sld [smem:$0x3FB1]  }
0x31: {  	[smem:$0x3FBA] =	sst s10  }
0x32: {  	s10 =	sld [smem:$0x3FB8];
	_ =	sdelay $0x3  }
0x33: {  	p0 =	seq.s32 s10, $0x1;
	s10 =	sld [smem:$0x3FBA];
	_ =	sdelay $0x3  }
0x34: {  	[smem:$0x3FBA] =	sst s10  }
0x35: {  	s10 =	sld [smem:$0x3FB9];
	_ =	sdelay $0x3  }
0x36: {  	p1 =	seq.s32 s10, $0x1;
	s10 =	sld [smem:$0x3FBA];
	_ =	sdelay $0x3  }
0x37: {  	[smem:$0x3FBA] =	sst s10  }
0x38: {  	s10 =	sld [smem:$0x3FBB]  }
0x39: {  	_ = 	snop;
	(pc) =	sbr.ind lr, $3  }
0x3a: {  	_ = 	snop  }
0x3b: {  	_ = 	snop  }
0x3c: {  	p2 =	seq.s32 s10, $0x1;
	s10 =	sld [smem:$0x3FBA]  }
0x3d: {  	_ =	shalt  }
0x3e: {  	_ =	shalt  }
0x3f: {  	_ =	shalt  }
0x40: {  	_ =	shalt  }
0x41: {  	_ =	shalt  }
0x42: {  	_ =	shalt  }
0x43: {  	_ =	shalt  }
0x44: {  	_ =	shalt  }
0x45: {  	_ =	shalt  }
0x46: {  	_ =	shalt  }
0x47: {  	_ =	shalt  }
0x48: {  	_ =	shalt  }
0x49: {  	_ =	shalt  }
0x4a: {  	_ =	shalt  }
0x4b: {  	_ =	shalt  }
0x4c: {  	_ =	shalt  }
0x4d: {  	_ =	shalt  }
0x4e: {  	_ =	shalt  }
0x4f: {  	_ =	shalt  }
0x50: {  	_ =	shalt  }
0x51: {  	_ =	shalt  }
0x52: {  	_ =	shalt  }
0x53: {  	_ =	shalt  }
0x54: {  	_ =	shalt  }
0x55: {  	_ =	shalt  }
0x56: {  	_ =	shalt  }
0x57: {  	_ =	shalt  }
0x58: {  	_ =	shalt  }
0x59: {  	_ =	shalt  }
0x5a: {  	_ =	shalt  }
0x5b: {  	_ =	shalt  }
0x5c: {  	_ =	shalt  }
0x5d: {  	_ =	shalt  }
0x5e: {  	_ =	shalt  }
0x5f: {  	_ =	shalt  }
0x60: {  	_ =	shalt  }
0x61: {  	_ =	shalt  }
0x62: {  	_ =	shalt  }
0x63: {  	_ =	shalt  }
0x64: {  	_ =	shalt  }
0x65: {  	_ =	shalt  }
0x66: {  	_ =	shalt  }
0x67: {  	_ =	shalt  }
0x68: {  	_ =	shalt  }
0x69: {  	_ =	shalt  }
0x6a: {  	_ =	shalt  }
0x6b: {  	_ =	shalt  }
0x6c: {  	_ =	shalt  }
0x6d: {  	_ =	shalt  }
0x6e: {  	_ =	shalt  }
0x6f: {  	_ =	shalt  }
0x70: {  	_ =	shalt  }
0x71: {  	_ =	shalt  }
0x72: {  	_ =	shalt  }
0x73: {  	_ =	shalt  }
0x74: {  	_ =	shalt  }
0x75: {  	_ =	shalt  }
0x76: {  	_ =	shalt  }
0x77: {  	_ =	shalt  }
0x78: {  	_ =	shalt  }
0x79: {  	_ =	shalt  }
0x7a: {  	_ =	shalt  }
0x7b: {  	_ =	shalt  }
0x7c: {  	_ =	shalt  }
0x7d: {  	_ =	shalt  }
0x7e: {  	_ =	shalt  }
0x7f: {  	_ =	shalt  }
0x80: {  	_ =	shalt  }
0x81: {  	_ =	shalt  }
0x82: {  	_ =	shalt  }
0x83: {  	_ =	shalt  }
0x84: {  	_ =	shalt  }
0x85: {  	_ =	shalt  }
0x86: {  	_ =	shalt  }
0x87: {  	_ =	shalt  }
.Lfunc_end0:
.L_simem_size_0:
called_computation_lowered:
.L_overlay_start_0:
0x88: {  	s2 =	sld [smem:$0x3FD9]  }
0x89: {  	s3 =	sld [smem:$0x3FFE];
	_ =	sdelay $0x1  }
0x8a: {  	s1 =	srdreg.scid  }
0x8b: {  	s0 =	sand.u32 $0x1, s1  }
0x8c: {  	s18 =	sshll.u32 s0, $0xA;
	s2 =	sadd.s32 s3, s2  }
0x8d: {  	s2 =	sadd.s32 s2, s18  }
0x8e: {  	[smem:$0x3FC6] =	sst s2  }
0x8f: {  	_ = 	snop  }
0x90: {  	s2 =	sld [smem:$0x3FC9]  }
0x91: {  	s19 =	sld [smem:$0x3FC8]  }
0x92: {  	s4 =	sld [smem:$0x3FD0];
	(tm) =	ssettm $0x1  }
0x93: {  	s5 =	sld [smem:$0x3FFB];
	_ =	sdelay $0x3  }
0x94: {  	_ =	strace s5  }
0x95: {  	s5 =	sld [smem:$0x3FFC];
	_ =	sdelay $0x3  }
0x96: {  	_ =	strace s5  }
0x97: {  	s5 =	sld [smem:$0x3FFD];
	_ =	sdelay $0x3  }
0x98: {  	_ =	strace s5  }
0x99: {  	_ =	strace $0x8FFFFFFF  }
0x9a: {  	s20 =	sld [smem:$0x3FDB];
	_ =	sdelay $0x1  }
0x9b: {  	s6 =	simm.s32 $_scs_section_size  }
0x9c: {  	s7 =	simm.s32 $_size__tile_overlayer_lowered;
	s8 =	simm.s32 $_tile_overlayer_lowered  }
0x9d: {  	s23 =	simm.s32 $0x1BFF;
	s22 =	sshll.u32 s8, $0x1;
	s5 =	sadd.s32 s6, s20  }
0x9e: {  	s9 =	simm.s32 $0x0;
	s21 =	sshll.u32 s7, $0x1;
	s7 =	sadd.s32 s22, s5  }
0x9f: {  	[timem:s9], [sflag:s23] =	dma.local [hbm:s7], s21  }
0xa0: {  	_ =	swait.ge [sflag:s23], s21  }
0xa1: {  	s6 =	ssub.s32 $0x0, s21;
	[sflag:s23] =	ssyncset.done $0x0  }
0xa2: {  	[sflag:s23] =	ssyncadd.s32 s6;
	_ =	sdelay $0x1  }
0xa3: {  	s24 =	simm.s32 $0x1B8B  }
0xa4: {  	_ =	swait.ge [sflag:s24], $0x1  }
0xa5: {  	[sflag:s24] =	ssyncset.done $0x0  }
0xa6: {  	s25 =	simm.s32 $0x1B8E;
	[sflag:s24] =	ssyncadd.s32 $0xFFFFFFFF  }
0xa7: {  	s26 =	simm.s32 $execute0_lowered;
	[smem:$0x3FD2] =	sst s25  }
0xa8: {  	s6 =	sshll.u32 s26, $0x1;
	_ =	strace $0x80000046;
	[dreg:$0x1] =	wrdreg $0xFFFFFFFF  }
0xa9: {  	s28 =	simm.s32 $_size_execute0_lowered;
	s5 =	sadd.s32 s5, s6;
	[dreg:$0x0] =	wrdreg $0x0  }
0xaa: {  	s6 =	sshll.u32 s28, $0x1;
	[dreg:$0x2] =	wrdreg s5  }
0xab: {  	[dreg:$0x3] =	wrdreg s6  }
0xac: {  	[dreg:$0x4] =	wrdreg $0xC0  }
0xad: {  	_ =	task [dreg:s9], $0x5FFFF  }
0xae: {  	[dreg:$0x1] =	wrdreg $0xFFFFFFFF  }
0xaf: {  	[dreg:$0x0] =	wrdreg $0x60  }
0xb0: {  	[dreg:$0x2] =	wrdreg s19  }
0xb1: {  	[dreg:$0x3] =	wrdreg s2  }
0xb2: {  	[dreg:$0x4] =	wrdreg s4  }
0xb3: {  	[dreg:$0x5] =	wrdreg $0x9  }
0xb4: {  	_ =	task.clear_ibuf [dreg:s9], $0x6FFFF;
	_ =	strace $0x90000046  }
0xb5: {  	s29 =	simm.s32 $0x9;
	_ =	strace $0x80000048  }
0xb6: {  	_ =	swait.ge [sflag:s29], $0x1  }
0xb7: {  	[sflag:s29] =	ssyncadd.s32 $0xFFFFFFFF  }
0xb8: {  	_ =	strace $0x90000048  }
0xb9: {  	_ =	sfence  }
0xba: {  	s30 =	sld [smem:$0x0];
	_ =	sdelay $0x2  }
0xbb: {  	s31 =	sshll.u32 s1, $0xD;
	s1 =	sshrl.u32 s1, $0x2  }
0xbc: {  	s3 =	sand.u32 $0x4000, s31;
	s1 =	sadd.s32 s1, s30  }
0xbd: {  	s0 =	sor.u32 s3, s0;
	s1 =	sshll.u32 s1, $0x11  }
0xbe: {  	s0 =	sor.u32 s1, s0  }
0xbf: {  	s0 =	sadd.s32 $0x8F2B, s0  }
0xc0: {  	[sflag:s0] =	ssyncadd.remote.s32 $0x1  }
0xc1: {  	_ =	sfence.sel $0xFFFF  }
0xc2: {  	[dreg:$0x0] =	wrdreg $0xFFFFFFFF;
	(pc) =	sbr.abs _section_cstart, $3  }
0xc3: {  	[dreg:$0x1] =	wrdreg $0xFFFFFFFF  }
0xc4: {  	_ =	task.clear_ibuf [dreg:s9], $0x2FFFF;
	_ =	strace $0x9FFFFFFF  }
0xc5: {  	(tm) =	ssettm $0x7FFFFFFF  }
tec
execute0_lowered:
.L_overlay_start_1:
0x0: {  	(tag) =	ssettag $0x1  }
0x1: {  	s1 =	rddreg [dreg:$0x0]  }
0x2: {  	s0 =	rddreg [dreg:$0x1];
	s2 =	srdreg.scid  }
0x3: {  	s6 =	stileid.u32;
	s4 =	rddreg [dreg:$0x2]  }
0x4: {  	s30 =	simm.s32 $0x80;
	s2 =	sand.u32 $0x1, s2;
	s3 =	sshll.u32 s6, $0x1  }
0x5: {  	s31 =	simm.s32 $0x400;
	s6 =	sshll.u32 s6, $0x7;
	s5 =	sor.u32 s2, s3  }
0x6: {  	s3 =	simm.s32 $0x0;
	s6 =	sand.u32 $0x600, s6;
	s7 =	smul.u32 $0x60000, s5  }
0x7: {  	[smem:$0x7FF] =	sst s3;
	s5 =	sshll.u32 s5, $0x4;
	s0 =	sadd.s32 s0, s6  }
0x8: {  	s5 =	sand.u32 $0x70, s5;
	_ =	strace $0x80000047;
	[dreg:$0x14] =	wrdreg s30  }
0x9: {  	[dreg:$0x15] =	wrdreg s31;
	s11 =	sshrl.u32 s7, $0x3;
	s0 =	sadd.s32 s5, s0  }
0xa: {  	s12 =	sadd.s32 s4, s11;
	[dreg:$0x4] =	wrdreg s0  }
0xb: {  	s13 =	sadd.s32 $0xC00, s12;
	[dreg:$0x16] =	wrdreg s12  }
0xc: {  	s14 =	sadd.s32 $0x1800, s12;
	[dreg:$0x5] =	wrdreg s13  }
0xd: {  	s15 =	sadd.s32 $0x2400, s12;
	[dreg:$0x6] =	wrdreg s14  }
0xe: {  	s16 =	sadd.s32 $0x3000, s12;
	[dreg:$0x7] =	wrdreg s15  }
0xf: {  	s17 =	sadd.s32 $0x3C00, s12;
	[dreg:$0x8] =	wrdreg s16  }
0x10: {  	s18 =	sadd.s32 $0x4800, s12;
	[dreg:$0x9] =	wrdreg s17  }
0x11: {  	s8 =	simm.s32 $0x1;
	s19 =	sadd.s32 $0x5400, s12;
	[dreg:$0xa] =	wrdreg s18  }
0x12: {  	s10 =	simm.s32 $0x5;
	s20 =	sadd.s32 $0x6000, s12;
	[dreg:$0xb] =	wrdreg s19  }
0x13: {  	s2 =	ssub.s32 $0x2, s2;
	s21 =	sadd.s32 $0x6C00, s12;
	[dreg:$0xc] =	wrdreg s20  }
0x14: {  	s28 =	sshrl.u32 s2, $0x1;
	s22 =	sadd.s32 $0x7800, s12;
	[dreg:$0xd] =	wrdreg s21  }
0x15: {  	s6 =	sadd.s32 $0x200, s1;
	s23 =	sadd.s32 $0x8400, s12;
	[dreg:$0xe] =	wrdreg s22  }
0x16: {  	s2 =	ssub.s32 s2, s28;
	s24 =	sadd.s32 $0x9000, s12;
	[dreg:$0xf] =	wrdreg s23  }
0x17: {  	s5 =	sadd.s32 $0x100, s1;
	s25 =	sadd.s32 $0x9C00, s12;
	[dreg:$0x10] =	wrdreg s24  }
0x18: {  	s7 =	smax.u32 s2, $0x1;
	s26 =	sadd.s32 $0xA800, s12;
	[dreg:$0x11] =	wrdreg s25  }
0x19: {  	v2 =	vlaneseq.u32;
	s11 =	simm.s32 $0x2;
	s29 =	sadd.s32 $0xB400, s12;
	[dreg:$0x12] =	wrdreg s26  }
0x1a: {  	vm0 =	vmmov $0xffff;
	v1 =	vshrl.u32 v2, $0x3;
	s12 =	simm.s32 $0x6;
	[dreg:$0x13] =	wrdreg s29;
	s13 =	simm.s32 $0x3  }
0x1b: {  	v0 =	vand.u32 $0x7, v2;
	v2 =	vor.u32 $0x8, v2;
	v1 =	vmul.u32 $0x8, v1;
	s14 =	simm.s32 $0x7;
	s15 =	simm.s32 $0x4;
	s16 =	simm.s32 $0x8  }
.LBB2_1:
0x1c: {  	s17 =	rddreg [dreg:$0x4]  }
0x1d: {  	s18 =	rddreg [dreg:$0x14]  }
0x1e: {  	s19 =	rddreg [dreg:$0x15];
	s0 =	simm.s32 $0x9  }
0x1f: {  	[tilespmem:s3], [sflag:$0x9] =	stream.strided.gather [hbm4b:s17+s18], $0x200, s19, s18, $0x38;
	[tilespmem:$0x18200] =	vst v63  }
0x20: {  	_ =	swait.ge [sflag:s0], $0x200  }
0x21: {  	[sflag:s0] =	ssyncset.done $0x0  }
0x22: {  	[sflag:s0] =	ssyncadd.s32 $0xFFFFFE00  }
0x23: {  	v3 =	vld [tilespmem:$0x0];
	_ =	sdelay $0x4  }
0x24: {  	v4 =	vshrl.u32 v3, $0x3  }
0x25: {  	v4 =	vmul.u32 $0x30, v4  }
0x26: {  	v3 =	vand.u32 $0x7, v3  }
0x27: {  	v3 =	vor.u32 v3, v4  }
0x28: {  	v4 =	vperm.xlane v3, v0;
	_ =	sdelay $0x1  }
0x29: {  	v4 =	vadd.s32 v1, v4;
	_ =	sdelay $0x3  }
0x2a: {  	s0 =	simm.s32 $0x200;
	v3 =	vperm.xlane v3, v2  }
0x2b: {  	[tilespmem:s0], [sflag:$0x1] =	stream.indirect_vreg.gather [hbm4b:s1+s3], $0x80, v4, vm0, $0xb8;
	[tilespmem:$0x18200] =	vst v63  }
0x2c: {  	s2 =	simm.s32 $0xA00;
	v3 =	vadd.s32 v1, v3  }
0x2d: {  	[tilespmem:s2], [sflag:$0x1] =	stream.indirect_vreg.gather [hbm4b:s5+s3], $0x80, v4, vm0, $0xb8;
	[tilespmem:$0x18200] =	vst v63  }
0x2e: {  	s4 =	simm.s32 $0x1200  }
0x2f: {  	[tilespmem:s4], [sflag:$0x1] =	stream.indirect_vreg.gather [hbm4b:s6+s3], $0x80, v4, vm0, $0xb8;
	[tilespmem:$0x18200] =	vst v63  }
0x30: {  	s9 =	simm.s32 $0x1A00  }
0x31: {  	[tilespmem:s9], [sflag:$0x1] =	stream.indirect_vreg.gather [hbm4b:s1+s3], $0x80, v3, vm0, $0xb8;
	[tilespmem:$0x18200] =	vst v63  }
0x32: {  	s17 =	simm.s32 $0x2200  }
0x33: {  	[tilespmem:s17], [sflag:$0x1] =	stream.indirect_vreg.gather [hbm4b:s5+s3], $0x80, v3, vm0, $0xb8;
	[tilespmem:$0x18200] =	vst v63  }
0x34: {  	s19 =	simm.s32 $0x2A00  }
0x35: {  	[tilespmem:s19], [sflag:$0x1] =	stream.indirect_vreg.gather [hbm4b:s6+s3], $0x80, v3, vm0, $0xb8;
	[tilespmem:$0x18200] =	vst v63  }
0x36: {  	v3 =	vld [tilespmem:$0x10];
	_ =	sdelay $0x4  }
0x37: {  	v33 =	vshrl.u32 v3, $0x3  }
0x38: {  	v4 =	vmul.u32 $0x30, v33  }
0x39: {  	v3 =	vand.u32 $0x7, v3  }
0x3a: {  	v3 =	vor.u32 v3, v4  }
0x3b: {  	v4 =	vperm.xlane v3, v0;
	_ =	sdelay $0x1  }
0x3c: {  	v4 =	vadd.s32 v1, v4;
	_ =	sdelay $0x3  }
0x3d: {  	s21 =	simm.s32 $0x3200;
	v3 =	vperm.xlane v3, v2  }
0x3e: {  	[tilespmem:s21], [sflag:$0x1] =	stream.indirect_vreg.gather [hbm4b:s1+s3], $0x80, v4, vm0, $0xb8;
	[tilespmem:$0x18200] =	vst v63  }
0x3f: {  	s22 =	simm.s32 $0x3A00;
	v3 =	vadd.s32 v1, v3  }
0x40: {  	[tilespmem:s22], [sflag:$0x1] =	stream.indirect_vreg.gather [hbm4b:s5+s3], $0x80, v4, vm0, $0xb8;
	[tilespmem:$0x18200] =	vst v63  }
0x41: {  	s23 =	simm.s32 $0x4200  }
0x42: {  	[tilespmem:s23], [sflag:$0x1] =	stream.indirect_vreg.gather [hbm4b:s6+s3], $0x80, v4, vm0, $0xb8;
	[tilespmem:$0x18200] =	vst v63  }
0x43: {  	s25 =	simm.s32 $0x4A00  }
0x44: {  	[tilespmem:s25], [sflag:$0x1] =	stream.indirect_vreg.gather [hbm4b:s1+s3], $0x80, v3, vm0, $0xb8;
	[tilespmem:$0x18200] =	vst v63  }
0x45: {  	s26 =	simm.s32 $0x5200  }
0x46: {  	[tilespmem:s26], [sflag:$0x1] =	stream.indirect_vreg.gather [hbm4b:s5+s3], $0x80, v3, vm0, $0xb8;
	[tilespmem:$0x18200] =	vst v63  }
0x47: {  	s29 =	simm.s32 $0x5A00  }
0x48: {  	[tilespmem:s29], [sflag:$0x1] =	stream.indirect_vreg.gather [hbm4b:s6+s3], $0x80, v3, vm0, $0xb8;
	[tilespmem:$0x18200] =	vst v63  }
0x49: {  	v3 =	vld [tilespmem:$0x20];
	_ =	sdelay $0x4  }
0x4a: {  	v34 =	vshrl.u32 v3, $0x3  }
0x4b: {  	v4 =	vmul.u32 $0x30, v34  }
0x4c: {  	v3 =	vand.u32 $0x7, v3  }
0x4d: {  	v3 =	vor.u32 v3, v4  }
0x4e: {  	v4 =	vperm.xlane v3, v0;
	_ =	sdelay $0x1  }
0x4f: {  	v4 =	vadd.s32 v1, v4;
	_ =	sdelay $0x3  }
0x50: {  	s30 =	simm.s32 $0x6200;
	v3 =	vperm.xlane v3, v2  }
0x51: {  	[tilespmem:s30], [sflag:$0x2] =	stream.indirect_vreg.gather [hbm4b:s1+s3], $0x80, v4, vm0, $0xb8;
	[tilespmem:$0x18200] =	vst v63  }
0x52: {  	s31 =	simm.s32 $0x6A00;
	v3 =	vadd.s32 v1, v3  }
0x53: {  	[tilespmem:s31], [sflag:$0x2] =	stream.indirect_vreg.gather [hbm4b:s5+s3], $0x80, v4, vm0, $0xb8;
	[tilespmem:$0x18200] =	vst v63  }
0x54: {  	s2 =	simm.s32 $0x7200  }
0x55: {  	[tilespmem:s2], [sflag:$0x2] =	stream.indirect_vreg.gather [hbm4b:s6+s3], $0x80, v4, vm0, $0xb8;
	[tilespmem:$0x18200] =	vst v63  }
0x56: {  	s4 =	simm.s32 $0x7A00  }
0x57: {  	[tilespmem:s4], [sflag:$0x2] =	stream.indirect_vreg.gather [hbm4b:s1+s3], $0x80, v3, vm0, $0xb8;
	[tilespmem:$0x18200] =	vst v63  }
0x58: {  	s17 =	simm.s32 $0x8200  }
0x59: {  	[tilespmem:s17], [sflag:$0x2] =	stream.indirect_vreg.gather [hbm4b:s5+s3], $0x80, v3, vm0, $0xb8;
	[tilespmem:$0x18200] =	vst v63  }
0x5a: {  	s25 =	simm.s32 $0x8A00  }
0x5b: {  	[tilespmem:s25], [sflag:$0x2] =	stream.indirect_vreg.gather [hbm4b:s6+s3], $0x80, v3, vm0, $0xb8;
	[tilespmem:$0x18200] =	vst v63  }
0x5c: {  	v3 =	vld [tilespmem:$0x30];
	_ =	sdelay $0x4  }
0x5d: {  	v35 =	vshrl.u32 v3, $0x3  }
0x5e: {  	v4 =	vmul.u32 $0x30, v35  }
0x5f: {  	v3 =	vand.u32 $0x7, v3  }
0x60: {  	v3 =	vor.u32 v3, v4  }
0x61: {  	v4 =	vperm.xlane v3, v0;
	_ =	sdelay $0x1  }
0x62: {  	v4 =	vadd.s32 v1, v4;
	_ =	sdelay $0x3  }
0x63: {  	s26 =	simm.s32 $0x9200;
	v3 =	vperm.xlane v3, v2  }
0x64: {  	[tilespmem:s26], [sflag:$0x2] =	stream.indirect_vreg.gather [hbm4b:s1+s3], $0x80, v4, vm0, $0xb8;
	[tilespmem:$0x18200] =	vst v63  }
0x65: {  	s31 =	simm.s32 $0x9A00;
	v3 =	vadd.s32 v1, v3  }
0x66: {  	[tilespmem:s31], [sflag:$0x2] =	stream.indirect_vreg.gather [hbm4b:s5+s3], $0x80, v4, vm0, $0xb8;
	[tilespmem:$0x18200] =	vst v63  }
0x67: {  	s2 =	simm.s32 $0xA200  }
0x68: {  	[tilespmem:s2], [sflag:$0x2] =	stream.indirect_vreg.gather [hbm4b:s6+s3], $0x80, v4, vm0, $0xb8;
	[tilespmem:$0x18200] =	vst v63  }
0x69: {  	s4 =	simm.s32 $0xAA00  }
0x6a: {  	[tilespmem:s4], [sflag:$0x2] =	stream.indirect_vreg.gather [hbm4b:s1+s3], $0x80, v3, vm0, $0xb8;
	[tilespmem:$0x18200] =	vst v63  }
0x6b: {  	s17 =	simm.s32 $0xB200  }
0x6c: {  	[tilespmem:s17], [sflag:$0x2] =	stream.indirect_vreg.gather [hbm4b:s5+s3], $0x80, v3, vm0, $0xb8;
	[tilespmem:$0x18200] =	vst v63  }
0x6d: {  	s2 =	simm.s32 $0xBA00  }
0x6e: {  	[tilespmem:s2], [sflag:$0x2] =	stream.indirect_vreg.gather [hbm4b:s6+s3], $0x80, v3, vm0, $0xb8;
	[tilespmem:$0x18200] =	vst v63  }
0x6f: {  	v3 =	vld [tilespmem:$0x40];
	_ =	sdelay $0x4  }
0x70: {  	v36 =	vshrl.u32 v3, $0x3  }
0x71: {  	v4 =	vmul.u32 $0x30, v36  }
0x72: {  	v3 =	vand.u32 $0x7, v3  }
0x73: {  	v3 =	vor.u32 v3, v4  }
0x74: {  	v4 =	vperm.xlane v3, v0;
	_ =	sdelay $0x1  }
0x75: {  	v4 =	vadd.s32 v1, v4;
	_ =	sdelay $0x3  }
0x76: {  	s4 =	simm.s32 $0xC200;
	v3 =	vperm.xlane v3, v2  }
0x77: {  	[tilespmem:s4], [sflag:$0x3] =	stream.indirect_vreg.gather [hbm4b:s1+s3], $0x80, v4, vm0, $0xb8;
	[tilespmem:$0x18200] =	vst v63  }
0x78: {  	s17 =	simm.s32 $0xCA00;
	v3 =	vadd.s32 v1, v3  }
0x79: {  	[tilespmem:s17], [sflag:$0x3] =	stream.indirect_vreg.gather [hbm4b:s5+s3], $0x80, v4, vm0, $0xb8;
	[tilespmem:$0x18200] =	vst v63  }
0x7a: {  	s2 =	simm.s32 $0xD200  }
0x7b: {  	[tilespmem:s2], [sflag:$0x3] =	stream.indirect_vreg.gather [hbm4b:s6+s3], $0x80, v4, vm0, $0xb8;
	[tilespmem:$0x18200] =	vst v63  }
0x7c: {  	s4 =	simm.s32 $0xDA00  }
0x7d: {  	[tilespmem:s4], [sflag:$0x3] =	stream.indirect_vreg.gather [hbm4b:s1+s3], $0x80, v3, vm0, $0xb8;
	[tilespmem:$0x18200] =	vst v63  }
0x7e: {  	s17 =	simm.s32 $0xE200  }
0x7f: {  	[tilespmem:s17], [sflag:$0x3] =	stream.indirect_vreg.gather [hbm4b:s5+s3], $0x80, v3, vm0, $0xb8;
	[tilespmem:$0x18200] =	vst v63  }
0x80: {  	s2 =	simm.s32 $0xEA00  }
0x81: {  	[tilespmem:s2], [sflag:$0x3] =	stream.indirect_vreg.gather [hbm4b:s6+s3], $0x80, v3, vm0, $0xb8;
	[tilespmem:$0x18200] =	vst v63  }
0x82: {  	v3 =	vld [tilespmem:$0x50];
	_ =	sdelay $0x4  }
0x83: {  	v37 =	vshrl.u32 v3, $0x3  }
0x84: {  	v4 =	vmul.u32 $0x30, v37  }
0x85: {  	v3 =	vand.u32 $0x7, v3  }
0x86: {  	v3 =	vor.u32 v3, v4  }
0x87: {  	v4 =	vperm.xlane v3, v0;
	_ =	sdelay $0x1  }
0x88: {  	v4 =	vadd.s32 v1, v4;
	_ =	sdelay $0x3  }
0x89: {  	s4 =	simm.s32 $0xF200;
	v3 =	vperm.xlane v3, v2  }
0x8a: {  	[tilespmem:s4], [sflag:$0x3] =	stream.indirect_vreg.gather [hbm4b:s1+s3], $0x80, v4, vm0, $0xb8;
	[tilespmem:$0x18200] =	vst v63  }
0x8b: {  	s17 =	simm.s32 $0xFA00;
	v3 =	vadd.s32 v1, v3  }
0x8c: {  	[tilespmem:s17], [sflag:$0x3] =	stream.indirect_vreg.gather [hbm4b:s5+s3], $0x80, v4, vm0, $0xb8;
	[tilespmem:$0x18200] =	vst v63  }
0x8d: {  	s2 =	simm.s32 $0x10200  }
0x8e: {  	[tilespmem:s2], [sflag:$0x3] =	stream.indirect_vreg.gather [hbm4b:s6+s3], $0x80, v4, vm0, $0xb8;
	[tilespmem:$0x18200] =	vst v63  }
0x8f: {  	s4 =	simm.s32 $0x10A00  }
0x90: {  	[tilespmem:s4], [sflag:$0x3] =	stream.indirect_vreg.gather [hbm4b:s1+s3], $0x80, v3, vm0, $0xb8;
	[tilespmem:$0x18200] =	vst v63  }
0x91: {  	s17 =	simm.s32 $0x11200  }
0x92: {  	[tilespmem:s17], [sflag:$0x3] =	stream.indirect_vreg.gather [hbm4b:s5+s3], $0x80, v3, vm0, $0xb8;
	[tilespmem:$0x18200] =	vst v63  }
0x93: {  	s2 =	simm.s32 $0x11A00  }
0x94: {  	[tilespmem:s2], [sflag:$0x3] =	stream.indirect_vreg.gather [hbm4b:s6+s3], $0x80, v3, vm0, $0xb8;
	[tilespmem:$0x18200] =	vst v63  }
0x95: {  	v3 =	vld [tilespmem:$0x60];
	_ =	sdelay $0x4  }
0x96: {  	v38 =	vshrl.u32 v3, $0x3  }
0x97: {  	v4 =	vmul.u32 $0x30, v38  }
0x98: {  	v3 =	vand.u32 $0x7, v3  }
0x99: {  	v3 =	vor.u32 v3, v4  }
0x9a: {  	v4 =	vperm.xlane v3, v0;
	_ =	sdelay $0x1  }
0x9b: {  	v4 =	vadd.s32 v1, v4;
	_ =	sdelay $0x3  }
0x9c: {  	s0 =	simm.s32 $0x12200;
	v3 =	vperm.xlane v3, v2  }
0x9d: {  	[tilespmem:s0], [sflag:$0x4] =	stream.indirect_vreg.gather [hbm4b:s1+s3], $0x80, v4, vm0, $0xb8;
	[tilespmem:$0x18200] =	vst v63  }
0x9e: {  	s4 =	simm.s32 $0x12A00;
	v3 =	vadd.s32 v1, v3  }
0x9f: {  	[tilespmem:s4], [sflag:$0x4] =	stream.indirect_vreg.gather [hbm4b:s5+s3], $0x80, v4, vm0, $0xb8;
	[tilespmem:$0x18200] =	vst v63  }
0xa0: {  	s2 =	simm.s32 $0x13200  }
0xa1: {  	[tilespmem:s2], [sflag:$0x4] =	stream.indirect_vreg.gather [hbm4b:s6+s3], $0x80, v4, vm0, $0xb8;
	[tilespmem:$0x18200] =	vst v63  }
0xa2: {  	s4 =	simm.s32 $0x13A00  }
0xa3: {  	[tilespmem:s4], [sflag:$0x4] =	stream.indirect_vreg.gather [hbm4b:s1+s3], $0x80, v3, vm0, $0xb8;
	[tilespmem:$0x18200] =	vst v63  }
0xa4: {  	s2 =	simm.s32 $0x14200  }
0xa5: {  	[tilespmem:s2], [sflag:$0x4] =	stream.indirect_vreg.gather [hbm4b:s5+s3], $0x80, v3, vm0, $0xb8;
	[tilespmem:$0x18200] =	vst v63  }
0xa6: {  	s4 =	simm.s32 $0x14A00  }
0xa7: {  	[tilespmem:s4], [sflag:$0x4] =	stream.indirect_vreg.gather [hbm4b:s6+s3], $0x80, v3, vm0, $0xb8;
	[tilespmem:$0x18200] =	vst v63  }
0xa8: {  	v3 =	vld [tilespmem:$0x70];
	_ =	sdelay $0x4  }
0xa9: {  	v39 =	vshrl.u32 v3, $0x3  }
0xaa: {  	v4 =	vmul.u32 $0x30, v39  }
0xab: {  	v3 =	vand.u32 $0x7, v3  }
0xac: {  	v3 =	vor.u32 v3, v4  }
0xad: {  	v4 =	vperm.xlane v3, v0;
	_ =	sdelay $0x1  }
0xae: {  	v4 =	vadd.s32 v1, v4;
	_ =	sdelay $0x3  }
0xaf: {  	s2 =	simm.s32 $0x15200;
	v3 =	vperm.xlane v3, v2  }
0xb0: {  	[tilespmem:s2], [sflag:$0x4] =	stream.indirect_vreg.gather [hbm4b:s1+s3], $0x80, v4, vm0, $0xb8;
	[tilespmem:$0x18200] =	vst v63  }
0xb1: {  	s4 =	simm.s32 $0x15A00;
	v3 =	vadd.s32 v1, v3  }
0xb2: {  	[tilespmem:s4], [sflag:$0x4] =	stream.indirect_vreg.gather [hbm4b:s5+s3], $0x80, v4, vm0, $0xb8;
	[tilespmem:$0x18200] =	vst v63  }
0xb3: {  	s2 =	simm.s32 $0x16200  }
0xb4: {  	[tilespmem:s2], [sflag:$0x4] =	stream.indirect_vreg.gather [hbm4b:s6+s3], $0x80, v4, vm0, $0xb8;
	[tilespmem:$0x18200] =	vst v63  }
0xb5: {  	s4 =	simm.s32 $0x16A00  }
0xb6: {  	[tilespmem:s4], [sflag:$0x4] =	stream.indirect_vreg.gather [hbm4b:s1+s3], $0x80, v3, vm0, $0xb8;
	[tilespmem:$0x18200] =	vst v63  }
0xb7: {  	s2 =	simm.s32 $0x17200  }
0xb8: {  	[tilespmem:s2], [sflag:$0x4] =	stream.indirect_vreg.gather [hbm4b:s5+s3], $0x80, v3, vm0, $0xb8;
	[tilespmem:$0x18200] =	vst v63  }
0xb9: {  	s4 =	simm.s32 $0x17A00  }
0xba: {  	[tilespmem:s4], [sflag:$0x4] =	stream.indirect_vreg.gather [hbm4b:s6+s3], $0x80, v3, vm0, $0xb8;
	[tilespmem:$0x18200] =	vst v63  }
0xbb: {  	_ =	swait.ge [sflag:s8], $0x6000  }
0xbc: {  	[sflag:s8] =	ssyncset.done $0x0  }
0xbd: {  	s4 =	simm.s32 $0x200;
	s2 =	rddreg [dreg:$0x16];
	[sflag:s8] =	ssyncadd.s32 $0xFFFFA000  }
0xbe: {  	[hbm4b:s2+s3] =	stream.linear.scatter [tilespmem:s4], [sflag:$0x5], $0x6000, $0x38;
	[tilespmem:$0x18200] =	vst v63  }
0xbf: {  	_ =	swait.ge [sflag:s10], $0x6000  }
0xc0: {  	[sflag:s10] =	ssyncset.done $0x0  }
0xc1: {  	[sflag:s10] =	ssyncadd.s32 $0xFFFFA000  }
0xc2: {  	v3 =	vld [tilespmem:$0x80];
	_ =	sdelay $0x4  }
0xc3: {  	v40 =	vshrl.u32 v3, $0x3  }
0xc4: {  	v4 =	vmul.u32 $0x30, v40  }
0xc5: {  	v3 =	vand.u32 $0x7, v3  }
0xc6: {  	v3 =	vor.u32 v3, v4  }
0xc7: {  	v4 =	vperm.xlane v3, v0;
	_ =	sdelay $0x1  }
0xc8: {  	v4 =	vadd.s32 v1, v4;
	_ =	sdelay $0x3  }
0xc9: {  	v3 =	vperm.xlane v3, v2  }
0xca: {  	[tilespmem:s4], [sflag:$0x1] =	stream.indirect_vreg.gather [hbm4b:s1+s3], $0x80, v4, vm0, $0xb8;
	[tilespmem:$0x18200] =	vst v63  }
0xcb: {  	s18 =	simm.s32 $0xA00;
	v3 =	vadd.s32 v1, v3  }
0xcc: {  	[tilespmem:s18], [sflag:$0x1] =	stream.indirect_vreg.gather [hbm4b:s5+s3], $0x80, v4, vm0, $0xb8;
	[tilespmem:$0x18200] =	vst v63  }
0xcd: {  	s24 =	simm.s32 $0x1200  }
0xce: {  	[tilespmem:s24], [sflag:$0x1] =	stream.indirect_vreg.gather [hbm4b:s6+s3], $0x80, v4, vm0, $0xb8;
	[tilespmem:$0x18200] =	vst v63  }
0xcf: {  	s28 =	simm.s32 $0x1A00  }
0xd0: {  	[tilespmem:s28], [sflag:$0x1] =	stream.indirect_vreg.gather [hbm4b:s1+s3], $0x80, v3, vm0, $0xb8;
	[tilespmem:$0x18200] =	vst v63  }
0xd1: {  	s20 =	simm.s32 $0x2200  }
0xd2: {  	[tilespmem:s20], [sflag:$0x1] =	stream.indirect_vreg.gather [hbm4b:s5+s3], $0x80, v3, vm0, $0xb8;
	[tilespmem:$0x18200] =	vst v63  }
0xd3: {  	s20 =	simm.s32 $0x2A00  }
0xd4: {  	[tilespmem:s20], [sflag:$0x1] =	stream.indirect_vreg.gather [hbm4b:s6+s3], $0x80, v3, vm0, $0xb8;
	[tilespmem:$0x18200] =	vst v63  }
0xd5: {  	v3 =	vld [tilespmem:$0x90];
	_ =	sdelay $0x4  }
0xd6: {  	v41 =	vshrl.u32 v3, $0x3  }
0xd7: {  	v4 =	vmul.u32 $0x30, v41  }
0xd8: {  	v3 =	vand.u32 $0x7, v3  }
0xd9: {  	v3 =	vor.u32 v3, v4  }
0xda: {  	v4 =	vperm.xlane v3, v0;
	_ =	sdelay $0x1  }
0xdb: {  	v4 =	vadd.s32 v1, v4;
	_ =	sdelay $0x3  }
0xdc: {  	s9 =	simm.s32 $0x3200;
	v3 =	vperm.xlane v3, v2  }
0xdd: {  	[tilespmem:s9], [sflag:$0x1] =	stream.indirect_vreg.gather [hbm4b:s1+s3], $0x80, v4, vm0, $0xb8;
	[tilespmem:$0x18200] =	vst v63  }
0xde: {  	s19 =	simm.s32 $0x3A00;
	v3 =	vadd.s32 v1, v3  }
0xdf: {  	[tilespmem:s19], [sflag:$0x1] =	stream.indirect_vreg.gather [hbm4b:s5+s3], $0x80, v4, vm0, $0xb8;
	[tilespmem:$0x18200] =	vst v63  }
0xe0: {  	s21 =	simm.s32 $0x4200  }
0xe1: {  	[tilespmem:s21], [sflag:$0x1] =	stream.indirect_vreg.gather [hbm4b:s6+s3], $0x80, v4, vm0, $0xb8;
	[tilespmem:$0x18200] =	vst v63  }
0xe2: {  	s19 =	simm.s32 $0x4A00  }
0xe3: {  	[tilespmem:s19], [sflag:$0x1] =	stream.indirect_vreg.gather [hbm4b:s1+s3], $0x80, v3, vm0, $0xb8;
	[tilespmem:$0x18200] =	vst v63  }
0xe4: {  	s18 =	simm.s32 $0x5200  }
0xe5: {  	[tilespmem:s18], [sflag:$0x1] =	stream.indirect_vreg.gather [hbm4b:s5+s3], $0x80, v3, vm0, $0xb8;
	[tilespmem:$0x18200] =	vst v63  }
0xe6: {  	s21 =	simm.s32 $0x5A00  }
0xe7: {  	[tilespmem:s21], [sflag:$0x1] =	stream.indirect_vreg.gather [hbm4b:s6+s3], $0x80, v3, vm0, $0xb8;
	[tilespmem:$0x18200] =	vst v63  }
0xe8: {  	_ =	swait.ge [sflag:s11], $0x6000  }
0xe9: {  	[sflag:s11] =	ssyncset.done $0x0  }
0xea: {  	s28 =	simm.s32 $0x6200;
	s24 =	rddreg [dreg:$0x5];
	[sflag:s11] =	ssyncadd.s32 $0xFFFFA000  }
0xeb: {  	[hbm4b:s24+s3] =	stream.linear.scatter [tilespmem:s28], [sflag:$0x6], $0x6000, $0x38;
	[tilespmem:$0x18200] =	vst v63  }
0xec: {  	_ =	swait.ge [sflag:s12], $0x6000  }
0xed: {  	[sflag:s12] =	ssyncset.done $0x0  }
0xee: {  	[sflag:s12] =	ssyncadd.s32 $0xFFFFA000  }
0xef: {  	v3 =	vld [tilespmem:$0xA0];
	_ =	sdelay $0x4  }
0xf0: {  	v42 =	vshrl.u32 v3, $0x3  }
0xf1: {  	v4 =	vmul.u32 $0x30, v42  }
0xf2: {  	v3 =	vand.u32 $0x7, v3  }
0xf3: {  	v3 =	vor.u32 v3, v4  }
0xf4: {  	v4 =	vperm.xlane v3, v0;
	_ =	sdelay $0x1  }
0xf5: {  	v4 =	vadd.s32 v1, v4;
	_ =	sdelay $0x3  }
0xf6: {  	v3 =	vperm.xlane v3, v2  }
0xf7: {  	[tilespmem:s28], [sflag:$0x2] =	stream.indirect_vreg.gather [hbm4b:s1+s3], $0x80, v4, vm0, $0xb8;
	[tilespmem:$0x18200] =	vst v63  }
0xf8: {  	s22 =	simm.s32 $0x6A00;
	v3 =	vadd.s32 v1, v3  }
0xf9: {  	[tilespmem:s22], [sflag:$0x2] =	stream.indirect_vreg.gather [hbm4b:s5+s3], $0x80, v4, vm0, $0xb8;
	[tilespmem:$0x18200] =	vst v63  }
0xfa: {  	s23 =	simm.s32 $0x7200  }
0xfb: {  	[tilespmem:s23], [sflag:$0x2] =	stream.indirect_vreg.gather [hbm4b:s6+s3], $0x80, v4, vm0, $0xb8;
	[tilespmem:$0x18200] =	vst v63  }
0xfc: {  	s29 =	simm.s32 $0x7A00  }
0xfd: {  	[tilespmem:s29], [sflag:$0x2] =	stream.indirect_vreg.gather [hbm4b:s1+s3], $0x80, v3, vm0, $0xb8;
	[tilespmem:$0x18200] =	vst v63  }
0xfe: {  	s30 =	simm.s32 $0x8200  }
0xff: {  	[tilespmem:s30], [sflag:$0x2] =	stream.indirect_vreg.gather [hbm4b:s5+s3], $0x80, v3, vm0, $0xb8;
	[tilespmem:$0x18200] =	vst v63  }
0x100: {  	s25 =	simm.s32 $0x8A00  }
0x101: {  	[tilespmem:s25], [sflag:$0x2] =	stream.indirect_vreg.gather [hbm4b:s6+s3], $0x80, v3, vm0, $0xb8;
	[tilespmem:$0x18200] =	vst v63  }
0x102: {  	v3 =	vld [tilespmem:$0xB0];
	_ =	sdelay $0x4  }
0x103: {  	v43 =	vshrl.u32 v3, $0x3  }
0x104: {  	v4 =	vmul.u32 $0x30, v43  }
0x105: {  	v3 =	vand.u32 $0x7, v3  }
0x106: {  	v3 =	vor.u32 v3, v4  }
0x107: {  	v4 =	vperm.xlane v3, v0;
	_ =	sdelay $0x1  }
0x108: {  	v4 =	vadd.s32 v1, v4;
	_ =	sdelay $0x3  }
0x109: {  	s26 =	simm.s32 $0x9200;
	v3 =	vperm.xlane v3, v2  }
0x10a: {  	[tilespmem:s26], [sflag:$0x2] =	stream.indirect_vreg.gather [hbm4b:s1+s3], $0x80, v4, vm0, $0xb8;
	[tilespmem:$0x18200] =	vst v63  }
0x10b: {  	s31 =	simm.s32 $0x9A00;
	v3 =	vadd.s32 v1, v3  }
0x10c: {  	[tilespmem:s31], [sflag:$0x2] =	stream.indirect_vreg.gather [hbm4b:s5+s3], $0x80, v4, vm0, $0xb8;
	[tilespmem:$0x18200] =	vst v63  }
0x10d: {  	s25 =	simm.s32 $0xA200  }
0x10e: {  	[tilespmem:s25], [sflag:$0x2] =	stream.indirect_vreg.gather [hbm4b:s6+s3], $0x80, v4, vm0, $0xb8;
	[tilespmem:$0x18200] =	vst v63  }
0x10f: {  	s26 =	simm.s32 $0xAA00  }
0x110: {  	[tilespmem:s26], [sflag:$0x2] =	stream.indirect_vreg.gather [hbm4b:s1+s3], $0x80, v3, vm0, $0xb8;
	[tilespmem:$0x18200] =	vst v63  }
0x111: {  	s28 =	simm.s32 $0xB200  }
0x112: {  	[tilespmem:s28], [sflag:$0x2] =	stream.indirect_vreg.gather [hbm4b:s5+s3], $0x80, v3, vm0, $0xb8;
	[tilespmem:$0x18200] =	vst v63  }
0x113: {  	s24 =	simm.s32 $0xBA00  }
0x114: {  	[tilespmem:s24], [sflag:$0x2] =	stream.indirect_vreg.gather [hbm4b:s6+s3], $0x80, v3, vm0, $0xb8;
	[tilespmem:$0x18200] =	vst v63  }
0x115: {  	_ =	swait.ge [sflag:s13], $0x6000  }
0x116: {  	[sflag:s13] =	ssyncset.done $0x0  }
0x117: {  	s9 =	simm.s32 $0xC200;
	s4 =	rddreg [dreg:$0x6];
	[sflag:s13] =	ssyncadd.s32 $0xFFFFA000  }
0x118: {  	[hbm4b:s4+s3] =	stream.linear.scatter [tilespmem:s9], [sflag:$0x7], $0x6000, $0x38;
	[tilespmem:$0x18200] =	vst v63  }
0x119: {  	_ =	swait.ge [sflag:s14], $0x6000  }
0x11a: {  	[sflag:s14] =	ssyncset.done $0x0  }
0x11b: {  	[sflag:s14] =	ssyncadd.s32 $0xFFFFA000  }
0x11c: {  	v3 =	vld [tilespmem:$0xC0];
	_ =	sdelay $0x4  }
0x11d: {  	v44 =	vshrl.u32 v3, $0x3  }
0x11e: {  	v4 =	vmul.u32 $0x30, v44  }
0x11f: {  	v3 =	vand.u32 $0x7, v3  }
0x120: {  	v3 =	vor.u32 v3, v4  }
0x121: {  	v4 =	vperm.xlane v3, v0;
	_ =	sdelay $0x1  }
0x122: {  	v4 =	vadd.s32 v1, v4;
	_ =	sdelay $0x3  }
0x123: {  	v3 =	vperm.xlane v3, v2  }
0x124: {  	[tilespmem:s9], [sflag:$0x3] =	stream.indirect_vreg.gather [hbm4b:s1+s3], $0x80, v4, vm0, $0xb8;
	[tilespmem:$0x18200] =	vst v63  }
0x125: {  	s29 =	simm.s32 $0xCA00;
	v3 =	vadd.s32 v1, v3  }
0x126: {  	[tilespmem:s29], [sflag:$0x3] =	stream.indirect_vreg.gather [hbm4b:s5+s3], $0x80, v4, vm0, $0xb8;
	[tilespmem:$0x18200] =	vst v63  }
0x127: {  	s30 =	simm.s32 $0xD200  }
0x128: {  	[tilespmem:s30], [sflag:$0x3] =	stream.indirect_vreg.gather [hbm4b:s6+s3], $0x80, v4, vm0, $0xb8;
	[tilespmem:$0x18200] =	vst v63  }
0x129: {  	s31 =	simm.s32 $0xDA00  }
0x12a: {  	[tilespmem:s31], [sflag:$0x3] =	stream.indirect_vreg.gather [hbm4b:s1+s3], $0x80, v3, vm0, $0xb8;
	[tilespmem:$0x18200] =	vst v63  }
0x12b: {  	s21 =	simm.s32 $0xE200  }
0x12c: {  	[tilespmem:s21], [sflag:$0x3] =	stream.indirect_vreg.gather [hbm4b:s5+s3], $0x80, v3, vm0, $0xb8;
	[tilespmem:$0x18200] =	vst v63  }
0x12d: {  	s22 =	simm.s32 $0xEA00  }
0x12e: {  	[tilespmem:s22], [sflag:$0x3] =	stream.indirect_vreg.gather [hbm4b:s6+s3], $0x80, v3, vm0, $0xb8;
	[tilespmem:$0x18200] =	vst v63  }
0x12f: {  	v3 =	vld [tilespmem:$0xD0];
	_ =	sdelay $0x4  }
0x130: {  	v45 =	vshrl.u32 v3, $0x3  }
0x131: {  	v4 =	vmul.u32 $0x30, v45  }
0x132: {  	v3 =	vand.u32 $0x7, v3  }
0x133: {  	v3 =	vor.u32 v3, v4  }
0x134: {  	v4 =	vperm.xlane v3, v0;
	_ =	sdelay $0x1  }
0x135: {  	v4 =	vadd.s32 v1, v4;
	_ =	sdelay $0x3  }
0x136: {  	s23 =	simm.s32 $0xF200;
	v3 =	vperm.xlane v3, v2  }
0x137: {  	[tilespmem:s23], [sflag:$0x3] =	stream.indirect_vreg.gather [hbm4b:s1+s3], $0x80, v4, vm0, $0xb8;
	[tilespmem:$0x18200] =	vst v63  }
0x138: {  	s21 =	simm.s32 $0xFA00;
	v3 =	vadd.s32 v1, v3  }
0x139: {  	[tilespmem:s21], [sflag:$0x3] =	stream.indirect_vreg.gather [hbm4b:s5+s3], $0x80, v4, vm0, $0xb8;
	[tilespmem:$0x18200] =	vst v63  }
0x13a: {  	s9 =	simm.s32 $0x10200  }
0x13b: {  	[tilespmem:s9], [sflag:$0x3] =	stream.indirect_vreg.gather [hbm4b:s6+s3], $0x80, v4, vm0, $0xb8;
	[tilespmem:$0x18200] =	vst v63  }
0x13c: {  	s22 =	simm.s32 $0x10A00  }
0x13d: {  	[tilespmem:s22], [sflag:$0x3] =	stream.indirect_vreg.gather [hbm4b:s1+s3], $0x80, v3, vm0, $0xb8;
	[tilespmem:$0x18200] =	vst v63  }
0x13e: {  	s23 =	simm.s32 $0x11200  }
0x13f: {  	[tilespmem:s23], [sflag:$0x3] =	stream.indirect_vreg.gather [hbm4b:s5+s3], $0x80, v3, vm0, $0xb8;
	[tilespmem:$0x18200] =	vst v63  }
0x140: {  	s17 =	simm.s32 $0x11A00  }
0x141: {  	[tilespmem:s17], [sflag:$0x3] =	stream.indirect_vreg.gather [hbm4b:s6+s3], $0x80, v3, vm0, $0xb8;
	[tilespmem:$0x18200] =	vst v63  }
0x142: {  	_ =	swait.ge [sflag:s15], $0x6000  }
0x143: {  	[sflag:s15] =	ssyncset.done $0x0  }
0x144: {  	s17 =	rddreg [dreg:$0x7];
	[sflag:s15] =	ssyncadd.s32 $0xFFFFA000  }
0x145: {  	[hbm4b:s17+s3] =	stream.linear.scatter [tilespmem:s0], [sflag:$0x8], $0x6000, $0x38;
	[tilespmem:$0x18200] =	vst v63  }
0x146: {  	_ =	swait.ge [sflag:s16], $0x6000  }
0x147: {  	[sflag:s16] =	ssyncset.done $0x0  }
0x148: {  	[sflag:s16] =	ssyncadd.s32 $0xFFFFA000  }
0x149: {  	v3 =	vld [tilespmem:$0xE0];
	_ =	sdelay $0x4  }
0x14a: {  	v46 =	vshrl.u32 v3, $0x3  }
0x14b: {  	v4 =	vmul.u32 $0x30, v46  }
0x14c: {  	v3 =	vand.u32 $0x7, v3  }
0x14d: {  	v3 =	vor.u32 v3, v4  }
0x14e: {  	v4 =	vperm.xlane v3, v0;
	_ =	sdelay $0x1  }
0x14f: {  	v4 =	vadd.s32 v1, v4;
	_ =	sdelay $0x3  }
0x150: {  	v3 =	vperm.xlane v3, v2  }
0x151: {  	[tilespmem:s0], [sflag:$0x4] =	stream.indirect_vreg.gather [hbm4b:s1+s3], $0x80, v4, vm0, $0xb8;
	[tilespmem:$0x18200] =	vst v63  }
0x152: {  	s17 =	simm.s32 $0x12A00;
	v3 =	vadd.s32 v1, v3  }
0x153: {  	[tilespmem:s17], [sflag:$0x4] =	stream.indirect_vreg.gather [hbm4b:s5+s3], $0x80, v4, vm0, $0xb8;
	[tilespmem:$0x18200] =	vst v63  }
0x154: {  	s17 =	simm.s32 $0x13200  }
0x155: {  	[tilespmem:s17], [sflag:$0x4] =	stream.indirect_vreg.gather [hbm4b:s6+s3], $0x80, v4, vm0, $0xb8;
	[tilespmem:$0x18200] =	vst v63  }
0x156: {  	s17 =	simm.s32 $0x13A00  }
0x157: {  	[tilespmem:s17], [sflag:$0x4] =	stream.indirect_vreg.gather [hbm4b:s1+s3], $0x80, v3, vm0, $0xb8;
	[tilespmem:$0x18200] =	vst v63  }
0x158: {  	s17 =	simm.s32 $0x14200  }
0x159: {  	[tilespmem:s17], [sflag:$0x4] =	stream.indirect_vreg.gather [hbm4b:s5+s3], $0x80, v3, vm0, $0xb8;
	[tilespmem:$0x18200] =	vst v63  }
0x15a: {  	s17 =	simm.s32 $0x14A00  }
0x15b: {  	[tilespmem:s17], [sflag:$0x4] =	stream.indirect_vreg.gather [hbm4b:s6+s3], $0x80, v3, vm0, $0xb8;
	[tilespmem:$0x18200] =	vst v63  }
0x15c: {  	v3 =	vld [tilespmem:$0xF0];
	_ =	sdelay $0x4  }
0x15d: {  	v47 =	vshrl.u32 v3, $0x3  }
0x15e: {  	v4 =	vmul.u32 $0x30, v47  }
0x15f: {  	v3 =	vand.u32 $0x7, v3  }
0x160: {  	v3 =	vor.u32 v3, v4  }
0x161: {  	v4 =	vperm.xlane v3, v0;
	_ =	sdelay $0x1  }
0x162: {  	v4 =	vadd.s32 v1, v4;
	_ =	sdelay $0x3  }
0x163: {  	s17 =	simm.s32 $0x15200;
	v3 =	vperm.xlane v3, v2  }
0x164: {  	[tilespmem:s17], [sflag:$0x4] =	stream.indirect_vreg.gather [hbm4b:s1+s3], $0x80, v4, vm0, $0xb8;
	[tilespmem:$0x18200] =	vst v63  }
0x165: {  	v3 =	vadd.s32 v1, v3;
	s17 =	simm.s32 $0x15A00  }
0x166: {  	[tilespmem:s17], [sflag:$0x4] =	stream.indirect_vreg.gather [hbm4b:s5+s3], $0x80, v4, vm0, $0xb8;
	[tilespmem:$0x18200] =	vst v63  }
0x167: {  	s17 =	simm.s32 $0x16200  }
0x168: {  	[tilespmem:s17], [sflag:$0x4] =	stream.indirect_vreg.gather [hbm4b:s6+s3], $0x80, v4, vm0, $0xb8;
	[tilespmem:$0x18200] =	vst v63  }
0x169: {  	s17 =	simm.s32 $0x16A00  }
0x16a: {  	[tilespmem:s17], [sflag:$0x4] =	stream.indirect_vreg.gather [hbm4b:s1+s3], $0x80, v3, vm0, $0xb8;
	[tilespmem:$0x18200] =	vst v63  }
0x16b: {  	s17 =	simm.s32 $0x17200  }
0x16c: {  	[tilespmem:s17], [sflag:$0x4] =	stream.indirect_vreg.gather [hbm4b:s5+s3], $0x80, v3, vm0, $0xb8;
	[tilespmem:$0x18200] =	vst v63  }
0x16d: {  	s17 =	simm.s32 $0x17A00  }
0x16e: {  	[tilespmem:s17], [sflag:$0x4] =	stream.indirect_vreg.gather [hbm4b:s6+s3], $0x80, v3, vm0, $0xb8;
	[tilespmem:$0x18200] =	vst v63  }
0x16f: {  	_ =	swait.ge [sflag:s8], $0x6000  }
0x170: {  	[sflag:s8] =	ssyncset.done $0x0  }
0x171: {  	s2 =	simm.s32 $0x200;
	s17 =	rddreg [dreg:$0x8];
	[sflag:s8] =	ssyncadd.s32 $0xFFFFA000  }
0x172: {  	[hbm4b:s17+s3] =	stream.linear.scatter [tilespmem:s2], [sflag:$0x5], $0x6000, $0x38;
	[tilespmem:$0x18200] =	vst v63  }
0x173: {  	_ =	swait.ge [sflag:s10], $0x6000  }
0x174: {  	[sflag:s10] =	ssyncset.done $0x0  }
0x175: {  	[sflag:s10] =	ssyncadd.s32 $0xFFFFA000  }
0x176: {  	v3 =	vld [tilespmem:$0x100];
	_ =	sdelay $0x4  }
0x177: {  	v48 =	vshrl.u32 v3, $0x3  }
0x178: {  	v4 =	vmul.u32 $0x30, v48  }
0x179: {  	v3 =	vand.u32 $0x7, v3  }
0x17a: {  	v3 =	vor.u32 v3, v4  }
0x17b: {  	v4 =	vperm.xlane v3, v0;
	_ =	sdelay $0x1  }
0x17c: {  	v4 =	vadd.s32 v1, v4;
	_ =	sdelay $0x3  }
0x17d: {  	v3 =	vperm.xlane v3, v2  }
0x17e: {  	[tilespmem:s2], [sflag:$0x1] =	stream.indirect_vreg.gather [hbm4b:s1+s3], $0x80, v4, vm0, $0xb8;
	[tilespmem:$0x18200] =	vst v63  }
0x17f: {  	s17 =	simm.s32 $0xA00;
	v3 =	vadd.s32 v1, v3  }
0x180: {  	[tilespmem:s17], [sflag:$0x1] =	stream.indirect_vreg.gather [hbm4b:s5+s3], $0x80, v4, vm0, $0xb8;
	[tilespmem:$0x18200] =	vst v63  }
0x181: {  	s17 =	simm.s32 $0x1200  }
0x182: {  	[tilespmem:s17], [sflag:$0x1] =	stream.indirect_vreg.gather [hbm4b:s6+s3], $0x80, v4, vm0, $0xb8;
	[tilespmem:$0x18200] =	vst v63  }
0x183: {  	s17 =	simm.s32 $0x1A00  }
0x184: {  	[tilespmem:s17], [sflag:$0x1] =	stream.indirect_vreg.gather [hbm4b:s1+s3], $0x80, v3, vm0, $0xb8;
	[tilespmem:$0x18200] =	vst v63  }
0x185: {  	s17 =	simm.s32 $0x2200  }
0x186: {  	[tilespmem:s17], [sflag:$0x1] =	stream.indirect_vreg.gather [hbm4b:s5+s3], $0x80, v3, vm0, $0xb8;
	[tilespmem:$0x18200] =	vst v63  }
0x187: {  	_ = 	snop  }
0x188: {  	[tilespmem:s20], [sflag:$0x1] =	stream.indirect_vreg.gather [hbm4b:s6+s3], $0x80, v3, vm0, $0xb8;
	[tilespmem:$0x18200] =	vst v63  }
0x189: {  	v3 =	vld [tilespmem:$0x110];
	_ =	sdelay $0x4  }
0x18a: {  	v49 =	vshrl.u32 v3, $0x3  }
0x18b: {  	v4 =	vmul.u32 $0x30, v49  }
0x18c: {  	v3 =	vand.u32 $0x7, v3  }
0x18d: {  	v3 =	vor.u32 v3, v4  }
0x18e: {  	v4 =	vperm.xlane v3, v0;
	_ =	sdelay $0x1  }
0x18f: {  	v4 =	vadd.s32 v1, v4;
	_ =	sdelay $0x3  }
0x190: {  	s17 =	simm.s32 $0x3200;
	v3 =	vperm.xlane v3, v2  }
0x191: {  	[tilespmem:s17], [sflag:$0x1] =	stream.indirect_vreg.gather [hbm4b:s1+s3], $0x80, v4, vm0, $0xb8;
	[tilespmem:$0x18200] =	vst v63  }
0x192: {  	s20 =	simm.s32 $0x3A00;
	v3 =	vadd.s32 v1, v3  }
0x193: {  	[tilespmem:s20], [sflag:$0x1] =	stream.indirect_vreg.gather [hbm4b:s5+s3], $0x80, v4, vm0, $0xb8;
	[tilespmem:$0x18200] =	vst v63  }
0x194: {  	s17 =	simm.s32 $0x4200  }
0x195: {  	[tilespmem:s17], [sflag:$0x1] =	stream.indirect_vreg.gather [hbm4b:s6+s3], $0x80, v4, vm0, $0xb8;
	[tilespmem:$0x18200] =	vst v63  }
0x196: {  	_ = 	snop  }
0x197: {  	[tilespmem:s19], [sflag:$0x1] =	stream.indirect_vreg.gather [hbm4b:s1+s3], $0x80, v3, vm0, $0xb8;
	[tilespmem:$0x18200] =	vst v63  }
0x198: {  	s19 =	simm.s32 $0x5200  }
0x199: {  	[tilespmem:s19], [sflag:$0x1] =	stream.indirect_vreg.gather [hbm4b:s5+s3], $0x80, v3, vm0, $0xb8;
	[tilespmem:$0x18200] =	vst v63  }
0x19a: {  	s20 =	simm.s32 $0x5A00  }
0x19b: {  	[tilespmem:s20], [sflag:$0x1] =	stream.indirect_vreg.gather [hbm4b:s6+s3], $0x80, v3, vm0, $0xb8;
	[tilespmem:$0x18200] =	vst v63  }
0x19c: {  	_ =	swait.ge [sflag:s11], $0x6000  }
0x19d: {  	[sflag:s11] =	ssyncset.done $0x0  }
0x19e: {  	s18 =	simm.s32 $0x6200;
	s2 =	rddreg [dreg:$0x9];
	[sflag:s11] =	ssyncadd.s32 $0xFFFFA000  }
0x19f: {  	[hbm4b:s2+s3] =	stream.linear.scatter [tilespmem:s18], [sflag:$0x6], $0x6000, $0x38;
	[tilespmem:$0x18200] =	vst v63  }
0x1a0: {  	_ =	swait.ge [sflag:s12], $0x6000  }
0x1a1: {  	[sflag:s12] =	ssyncset.done $0x0  }
0x1a2: {  	[sflag:s12] =	ssyncadd.s32 $0xFFFFA000  }
0x1a3: {  	v3 =	vld [tilespmem:$0x120];
	_ =	sdelay $0x4  }
0x1a4: {  	v50 =	vshrl.u32 v3, $0x3  }
0x1a5: {  	v4 =	vmul.u32 $0x30, v50  }
0x1a6: {  	v3 =	vand.u32 $0x7, v3  }
0x1a7: {  	v3 =	vor.u32 v3, v4  }
0x1a8: {  	v4 =	vperm.xlane v3, v0;
	_ =	sdelay $0x1  }
0x1a9: {  	v4 =	vadd.s32 v1, v4;
	_ =	sdelay $0x3  }
0x1aa: {  	v3 =	vperm.xlane v3, v2  }
0x1ab: {  	[tilespmem:s18], [sflag:$0x2] =	stream.indirect_vreg.gather [hbm4b:s1+s3], $0x80, v4, vm0, $0xb8;
	[tilespmem:$0x18200] =	vst v63  }
0x1ac: {  	s19 =	simm.s32 $0x6A00;
	v3 =	vadd.s32 v1, v3  }
0x1ad: {  	[tilespmem:s19], [sflag:$0x2] =	stream.indirect_vreg.gather [hbm4b:s5+s3], $0x80, v4, vm0, $0xb8;
	[tilespmem:$0x18200] =	vst v63  }
0x1ae: {  	s17 =	simm.s32 $0x7200  }
0x1af: {  	[tilespmem:s17], [sflag:$0x2] =	stream.indirect_vreg.gather [hbm4b:s6+s3], $0x80, v4, vm0, $0xb8;
	[tilespmem:$0x18200] =	vst v63  }
0x1b0: {  	s18 =	simm.s32 $0x7A00  }
0x1b1: {  	[tilespmem:s18], [sflag:$0x2] =	stream.indirect_vreg.gather [hbm4b:s1+s3], $0x80, v3, vm0, $0xb8;
	[tilespmem:$0x18200] =	vst v63  }
0x1b2: {  	s19 =	simm.s32 $0x8200  }
0x1b3: {  	[tilespmem:s19], [sflag:$0x2] =	stream.indirect_vreg.gather [hbm4b:s5+s3], $0x80, v3, vm0, $0xb8;
	[tilespmem:$0x18200] =	vst v63  }
0x1b4: {  	s17 =	simm.s32 $0x8A00  }
0x1b5: {  	[tilespmem:s17], [sflag:$0x2] =	stream.indirect_vreg.gather [hbm4b:s6+s3], $0x80, v3, vm0, $0xb8;
	[tilespmem:$0x18200] =	vst v63  }
0x1b6: {  	v3 =	vld [tilespmem:$0x130];
	_ =	sdelay $0x4  }
0x1b7: {  	v51 =	vshrl.u32 v3, $0x3  }
0x1b8: {  	v4 =	vmul.u32 $0x30, v51  }
0x1b9: {  	v3 =	vand.u32 $0x7, v3  }
0x1ba: {  	v3 =	vor.u32 v3, v4  }
0x1bb: {  	v4 =	vperm.xlane v3, v0;
	_ =	sdelay $0x1  }
0x1bc: {  	v4 =	vadd.s32 v1, v4;
	_ =	sdelay $0x3  }
0x1bd: {  	s18 =	simm.s32 $0x9200;
	v3 =	vperm.xlane v3, v2  }
0x1be: {  	[tilespmem:s18], [sflag:$0x2] =	stream.indirect_vreg.gather [hbm4b:s1+s3], $0x80, v4, vm0, $0xb8;
	[tilespmem:$0x18200] =	vst v63  }
0x1bf: {  	s19 =	simm.s32 $0x9A00;
	v3 =	vadd.s32 v1, v3  }
0x1c0: {  	[tilespmem:s19], [sflag:$0x2] =	stream.indirect_vreg.gather [hbm4b:s5+s3], $0x80, v4, vm0, $0xb8;
	[tilespmem:$0x18200] =	vst v63  }
0x1c1: {  	_ = 	snop  }
0x1c2: {  	[tilespmem:s25], [sflag:$0x2] =	stream.indirect_vreg.gather [hbm4b:s6+s3], $0x80, v4, vm0, $0xb8;
	[tilespmem:$0x18200] =	vst v63  }
0x1c3: {  	_ = 	snop  }
0x1c4: {  	[tilespmem:s26], [sflag:$0x2] =	stream.indirect_vreg.gather [hbm4b:s1+s3], $0x80, v3, vm0, $0xb8;
	[tilespmem:$0x18200] =	vst v63  }
0x1c5: {  	_ = 	snop  }
0x1c6: {  	[tilespmem:s28], [sflag:$0x2] =	stream.indirect_vreg.gather [hbm4b:s5+s3], $0x80, v3, vm0, $0xb8;
	[tilespmem:$0x18200] =	vst v63  }
0x1c7: {  	_ = 	snop  }
0x1c8: {  	[tilespmem:s24], [sflag:$0x2] =	stream.indirect_vreg.gather [hbm4b:s6+s3], $0x80, v3, vm0, $0xb8;
	[tilespmem:$0x18200] =	vst v63  }
0x1c9: {  	_ =	swait.ge [sflag:s13], $0x6000  }
0x1ca: {  	[sflag:s13] =	ssyncset.done $0x0  }
0x1cb: {  	s4 =	simm.s32 $0xC200;
	s2 =	rddreg [dreg:$0xa];
	[sflag:s13] =	ssyncadd.s32 $0xFFFFA000  }
0x1cc: {  	[hbm4b:s2+s3] =	stream.linear.scatter [tilespmem:s4], [sflag:$0x7], $0x6000, $0x38;
	[tilespmem:$0x18200] =	vst v63  }
0x1cd: {  	_ =	swait.ge [sflag:s14], $0x6000  }
0x1ce: {  	[sflag:s14] =	ssyncset.done $0x0  }
0x1cf: {  	[sflag:s14] =	ssyncadd.s32 $0xFFFFA000  }
0x1d0: {  	v3 =	vld [tilespmem:$0x140];
	_ =	sdelay $0x4  }
0x1d1: {  	v52 =	vshrl.u32 v3, $0x3  }
0x1d2: {  	v4 =	vmul.u32 $0x30, v52  }
0x1d3: {  	v3 =	vand.u32 $0x7, v3  }
0x1d4: {  	v3 =	vor.u32 v3, v4  }
0x1d5: {  	v4 =	vperm.xlane v3, v0;
	_ =	sdelay $0x1  }
0x1d6: {  	v4 =	vadd.s32 v1, v4;
	_ =	sdelay $0x3  }
0x1d7: {  	v3 =	vperm.xlane v3, v2  }
0x1d8: {  	[tilespmem:s4], [sflag:$0x3] =	stream.indirect_vreg.gather [hbm4b:s1+s3], $0x80, v4, vm0, $0xb8;
	[tilespmem:$0x18200] =	vst v63  }
0x1d9: {  	v3 =	vadd.s32 v1, v3  }
0x1da: {  	[tilespmem:s29], [sflag:$0x3] =	stream.indirect_vreg.gather [hbm4b:s5+s3], $0x80, v4, vm0, $0xb8;
	[tilespmem:$0x18200] =	vst v63  }
0x1db: {  	_ = 	snop  }
0x1dc: {  	[tilespmem:s30], [sflag:$0x3] =	stream.indirect_vreg.gather [hbm4b:s6+s3], $0x80, v4, vm0, $0xb8;
	[tilespmem:$0x18200] =	vst v63  }
0x1dd: {  	_ = 	snop  }
0x1de: {  	[tilespmem:s31], [sflag:$0x3] =	stream.indirect_vreg.gather [hbm4b:s1+s3], $0x80, v3, vm0, $0xb8;
	[tilespmem:$0x18200] =	vst v63  }
0x1df: {  	s17 =	simm.s32 $0xE200  }
0x1e0: {  	[tilespmem:s17], [sflag:$0x3] =	stream.indirect_vreg.gather [hbm4b:s5+s3], $0x80, v3, vm0, $0xb8;
	[tilespmem:$0x18200] =	vst v63  }
0x1e1: {  	s18 =	simm.s32 $0xEA00  }
0x1e2: {  	[tilespmem:s18], [sflag:$0x3] =	stream.indirect_vreg.gather [hbm4b:s6+s3], $0x80, v3, vm0, $0xb8;
	[tilespmem:$0x18200] =	vst v63  }
0x1e3: {  	v3 =	vld [tilespmem:$0x150];
	_ =	sdelay $0x4  }
0x1e4: {  	v53 =	vshrl.u32 v3, $0x3  }
0x1e5: {  	v4 =	vmul.u32 $0x30, v53  }
0x1e6: {  	v3 =	vand.u32 $0x7, v3  }
0x1e7: {  	v3 =	vor.u32 v3, v4  }
0x1e8: {  	v4 =	vperm.xlane v3, v0;
	_ =	sdelay $0x1  }
0x1e9: {  	v4 =	vadd.s32 v1, v4;
	_ =	sdelay $0x3  }
0x1ea: {  	s30 =	simm.s32 $0xF200;
	v3 =	vperm.xlane v3, v2  }
0x1eb: {  	[tilespmem:s30], [sflag:$0x3] =	stream.indirect_vreg.gather [hbm4b:s1+s3], $0x80, v4, vm0, $0xb8;
	[tilespmem:$0x18200] =	vst v63  }
0x1ec: {  	v3 =	vadd.s32 v1, v3  }
0x1ed: {  	[tilespmem:s21], [sflag:$0x3] =	stream.indirect_vreg.gather [hbm4b:s5+s3], $0x80, v4, vm0, $0xb8;
	[tilespmem:$0x18200] =	vst v63  }
0x1ee: {  	_ = 	snop  }
0x1ef: {  	[tilespmem:s9], [sflag:$0x3] =	stream.indirect_vreg.gather [hbm4b:s6+s3], $0x80, v4, vm0, $0xb8;
	[tilespmem:$0x18200] =	vst v63  }
0x1f0: {  	_ = 	snop  }
0x1f1: {  	[tilespmem:s22], [sflag:$0x3] =	stream.indirect_vreg.gather [hbm4b:s1+s3], $0x80, v3, vm0, $0xb8;
	[tilespmem:$0x18200] =	vst v63  }
0x1f2: {  	_ = 	snop  }
0x1f3: {  	[tilespmem:s23], [sflag:$0x3] =	stream.indirect_vreg.gather [hbm4b:s5+s3], $0x80, v3, vm0, $0xb8;
	[tilespmem:$0x18200] =	vst v63  }
0x1f4: {  	s31 =	simm.s32 $0x11A00  }
0x1f5: {  	[tilespmem:s31], [sflag:$0x3] =	stream.indirect_vreg.gather [hbm4b:s6+s3], $0x80, v3, vm0, $0xb8;
	[tilespmem:$0x18200] =	vst v63  }
0x1f6: {  	_ =	swait.ge [sflag:s15], $0x6000  }
0x1f7: {  	[sflag:s15] =	ssyncset.done $0x0  }
0x1f8: {  	s4 =	rddreg [dreg:$0xb];
	[sflag:s15] =	ssyncadd.s32 $0xFFFFA000  }
0x1f9: {  	[hbm4b:s4+s3] =	stream.linear.scatter [tilespmem:s0], [sflag:$0x8], $0x6000, $0x38;
	[tilespmem:$0x18200] =	vst v63  }
0x1fa: {  	_ =	swait.ge [sflag:s16], $0x6000  }
0x1fb: {  	[sflag:s16] =	ssyncset.done $0x0  }
0x1fc: {  	[sflag:s16] =	ssyncadd.s32 $0xFFFFA000  }
0x1fd: {  	v3 =	vld [tilespmem:$0x160];
	_ =	sdelay $0x4  }
0x1fe: {  	v54 =	vshrl.u32 v3, $0x3  }
0x1ff: {  	v4 =	vmul.u32 $0x30, v54  }
0x200: {  	v3 =	vand.u32 $0x7, v3  }
0x201: {  	v3 =	vor.u32 v3, v4  }
0x202: {  	v4 =	vperm.xlane v3, v0;
	_ =	sdelay $0x1  }
0x203: {  	v4 =	vadd.s32 v1, v4;
	_ =	sdelay $0x3  }
0x204: {  	v3 =	vperm.xlane v3, v2  }
0x205: {  	[tilespmem:s0], [sflag:$0x4] =	stream.indirect_vreg.gather [hbm4b:s1+s3], $0x80, v4, vm0, $0xb8;
	[tilespmem:$0x18200] =	vst v63  }
0x206: {  	s30 =	simm.s32 $0x12A00;
	v3 =	vadd.s32 v1, v3  }
0x207: {  	[tilespmem:s30], [sflag:$0x4] =	stream.indirect_vreg.gather [hbm4b:s5+s3], $0x80, v4, vm0, $0xb8;
	[tilespmem:$0x18200] =	vst v63  }
0x208: {  	s31 =	simm.s32 $0x13200  }
0x209: {  	[tilespmem:s31], [sflag:$0x4] =	stream.indirect_vreg.gather [hbm4b:s6+s3], $0x80, v4, vm0, $0xb8;
	[tilespmem:$0x18200] =	vst v63  }
0x20a: {  	s2 =	simm.s32 $0x13A00  }
0x20b: {  	[tilespmem:s2], [sflag:$0x4] =	stream.indirect_vreg.gather [hbm4b:s1+s3], $0x80, v3, vm0, $0xb8;
	[tilespmem:$0x18200] =	vst v63  }
0x20c: {  	s18 =	simm.s32 $0x14200  }
0x20d: {  	[tilespmem:s18], [sflag:$0x4] =	stream.indirect_vreg.gather [hbm4b:s5+s3], $0x80, v3, vm0, $0xb8;
	[tilespmem:$0x18200] =	vst v63  }
0x20e: {  	s4 =	simm.s32 $0x14A00  }
0x20f: {  	[tilespmem:s4], [sflag:$0x4] =	stream.indirect_vreg.gather [hbm4b:s6+s3], $0x80, v3, vm0, $0xb8;
	[tilespmem:$0x18200] =	vst v63  }
0x210: {  	v3 =	vld [tilespmem:$0x170];
	_ =	sdelay $0x4  }
0x211: {  	v55 =	vshrl.u32 v3, $0x3  }
0x212: {  	v4 =	vmul.u32 $0x30, v55  }
0x213: {  	v3 =	vand.u32 $0x7, v3  }
0x214: {  	v3 =	vor.u32 v3, v4  }
0x215: {  	v4 =	vperm.xlane v3, v0;
	_ =	sdelay $0x1  }
0x216: {  	v4 =	vadd.s32 v1, v4;
	_ =	sdelay $0x3  }
0x217: {  	s18 =	simm.s32 $0x15200;
	v3 =	vperm.xlane v3, v2  }
0x218: {  	[tilespmem:s18], [sflag:$0x4] =	stream.indirect_vreg.gather [hbm4b:s1+s3], $0x80, v4, vm0, $0xb8;
	[tilespmem:$0x18200] =	vst v63  }
0x219: {  	s4 =	simm.s32 $0x15A00;
	v3 =	vadd.s32 v1, v3  }
0x21a: {  	[tilespmem:s4], [sflag:$0x4] =	stream.indirect_vreg.gather [hbm4b:s5+s3], $0x80, v4, vm0, $0xb8;
	[tilespmem:$0x18200] =	vst v63  }
0x21b: {  	s18 =	simm.s32 $0x16200  }
0x21c: {  	[tilespmem:s18], [sflag:$0x4] =	stream.indirect_vreg.gather [hbm4b:s6+s3], $0x80, v4, vm0, $0xb8;
	[tilespmem:$0x18200] =	vst v63  }
0x21d: {  	s4 =	simm.s32 $0x16A00  }
0x21e: {  	[tilespmem:s4], [sflag:$0x4] =	stream.indirect_vreg.gather [hbm4b:s1+s3], $0x80, v3, vm0, $0xb8;
	[tilespmem:$0x18200] =	vst v63  }
0x21f: {  	s18 =	simm.s32 $0x17200  }
0x220: {  	[tilespmem:s18], [sflag:$0x4] =	stream.indirect_vreg.gather [hbm4b:s5+s3], $0x80, v3, vm0, $0xb8;
	[tilespmem:$0x18200] =	vst v63  }
0x221: {  	s4 =	simm.s32 $0x17A00  }
0x222: {  	[tilespmem:s4], [sflag:$0x4] =	stream.indirect_vreg.gather [hbm4b:s6+s3], $0x80, v3, vm0, $0xb8;
	[tilespmem:$0x18200] =	vst v63  }
0x223: {  	_ =	swait.ge [sflag:s8], $0x6000  }
0x224: {  	[sflag:s8] =	ssyncset.done $0x0  }
0x225: {  	s4 =	simm.s32 $0x200;
	s18 =	rddreg [dreg:$0xc];
	[sflag:s8] =	ssyncadd.s32 $0xFFFFA000  }
0x226: {  	[hbm4b:s18+s3] =	stream.linear.scatter [tilespmem:s4], [sflag:$0x5], $0x6000, $0x38;
	[tilespmem:$0x18200] =	vst v63  }
0x227: {  	_ =	swait.ge [sflag:s10], $0x6000  }
0x228: {  	[sflag:s10] =	ssyncset.done $0x0  }
0x229: {  	[sflag:s10] =	ssyncadd.s32 $0xFFFFA000  }
0x22a: {  	v3 =	vld [tilespmem:$0x180];
	_ =	sdelay $0x4  }
0x22b: {  	v56 =	vshrl.u32 v3, $0x3  }
0x22c: {  	v4 =	vmul.u32 $0x30, v56  }
0x22d: {  	v3 =	vand.u32 $0x7, v3  }
0x22e: {  	v3 =	vor.u32 v3, v4  }
0x22f: {  	v4 =	vperm.xlane v3, v0;
	_ =	sdelay $0x1  }
0x230: {  	v4 =	vadd.s32 v1, v4;
	_ =	sdelay $0x3  }
0x231: {  	v3 =	vperm.xlane v3, v2  }
0x232: {  	[tilespmem:s4], [sflag:$0x1] =	stream.indirect_vreg.gather [hbm4b:s1+s3], $0x80, v4, vm0, $0xb8;
	[tilespmem:$0x18200] =	vst v63  }
0x233: {  	s17 =	simm.s32 $0xA00;
	v3 =	vadd.s32 v1, v3  }
0x234: {  	[tilespmem:s17], [sflag:$0x1] =	stream.indirect_vreg.gather [hbm4b:s5+s3], $0x80, v4, vm0, $0xb8;
	[tilespmem:$0x18200] =	vst v63  }
0x235: {  	s17 =	simm.s32 $0x1200  }
0x236: {  	[tilespmem:s17], [sflag:$0x1] =	stream.indirect_vreg.gather [hbm4b:s6+s3], $0x80, v4, vm0, $0xb8;
	[tilespmem:$0x18200] =	vst v63  }
0x237: {  	s17 =	simm.s32 $0x1A00  }
0x238: {  	[tilespmem:s17], [sflag:$0x1] =	stream.indirect_vreg.gather [hbm4b:s1+s3], $0x80, v3, vm0, $0xb8;
	[tilespmem:$0x18200] =	vst v63  }
0x239: {  	s17 =	simm.s32 $0x2200  }
0x23a: {  	[tilespmem:s17], [sflag:$0x1] =	stream.indirect_vreg.gather [hbm4b:s5+s3], $0x80, v3, vm0, $0xb8;
	[tilespmem:$0x18200] =	vst v63  }
0x23b: {  	s17 =	simm.s32 $0x2A00  }
0x23c: {  	[tilespmem:s17], [sflag:$0x1] =	stream.indirect_vreg.gather [hbm4b:s6+s3], $0x80, v3, vm0, $0xb8;
	[tilespmem:$0x18200] =	vst v63  }
0x23d: {  	v3 =	vld [tilespmem:$0x190];
	_ =	sdelay $0x4  }
0x23e: {  	v57 =	vshrl.u32 v3, $0x3  }
0x23f: {  	v4 =	vmul.u32 $0x30, v57  }
0x240: {  	v3 =	vand.u32 $0x7, v3  }
0x241: {  	v3 =	vor.u32 v3, v4  }
0x242: {  	v4 =	vperm.xlane v3, v0;
	_ =	sdelay $0x1  }
0x243: {  	v4 =	vadd.s32 v1, v4;
	_ =	sdelay $0x3  }
0x244: {  	s17 =	simm.s32 $0x3200;
	v3 =	vperm.xlane v3, v2  }
0x245: {  	[tilespmem:s17], [sflag:$0x1] =	stream.indirect_vreg.gather [hbm4b:s1+s3], $0x80, v4, vm0, $0xb8;
	[tilespmem:$0x18200] =	vst v63  }
0x246: {  	v3 =	vadd.s32 v1, v3;
	s17 =	simm.s32 $0x3A00  }
0x247: {  	[tilespmem:s17], [sflag:$0x1] =	stream.indirect_vreg.gather [hbm4b:s5+s3], $0x80, v4, vm0, $0xb8;
	[tilespmem:$0x18200] =	vst v63  }
0x248: {  	s17 =	simm.s32 $0x4200  }
0x249: {  	[tilespmem:s17], [sflag:$0x1] =	stream.indirect_vreg.gather [hbm4b:s6+s3], $0x80, v4, vm0, $0xb8;
	[tilespmem:$0x18200] =	vst v63  }
0x24a: {  	s17 =	simm.s32 $0x4A00  }
0x24b: {  	[tilespmem:s17], [sflag:$0x1] =	stream.indirect_vreg.gather [hbm4b:s1+s3], $0x80, v3, vm0, $0xb8;
	[tilespmem:$0x18200] =	vst v63  }
0x24c: {  	s17 =	simm.s32 $0x5200  }
0x24d: {  	[tilespmem:s17], [sflag:$0x1] =	stream.indirect_vreg.gather [hbm4b:s5+s3], $0x80, v3, vm0, $0xb8;
	[tilespmem:$0x18200] =	vst v63  }
0x24e: {  	s20 =	simm.s32 $0x5A00  }
0x24f: {  	[tilespmem:s20], [sflag:$0x1] =	stream.indirect_vreg.gather [hbm4b:s6+s3], $0x80, v3, vm0, $0xb8;
	[tilespmem:$0x18200] =	vst v63  }
0x250: {  	_ =	swait.ge [sflag:s11], $0x6000  }
0x251: {  	[sflag:s11] =	ssyncset.done $0x0  }
0x252: {  	s20 =	simm.s32 $0x6200;
	s4 =	rddreg [dreg:$0xd];
	[sflag:s11] =	ssyncadd.s32 $0xFFFFA000  }
0x253: {  	[hbm4b:s4+s3] =	stream.linear.scatter [tilespmem:s20], [sflag:$0x6], $0x6000, $0x38;
	[tilespmem:$0x18200] =	vst v63  }
0x254: {  	_ =	swait.ge [sflag:s12], $0x6000  }
0x255: {  	[sflag:s12] =	ssyncset.done $0x0  }
0x256: {  	[sflag:s12] =	ssyncadd.s32 $0xFFFFA000  }
0x257: {  	v3 =	vld [tilespmem:$0x1A0];
	_ =	sdelay $0x4  }
0x258: {  	v58 =	vshrl.u32 v3, $0x3  }
0x259: {  	v4 =	vmul.u32 $0x30, v58  }
0x25a: {  	v3 =	vand.u32 $0x7, v3  }
0x25b: {  	v3 =	vor.u32 v3, v4  }
0x25c: {  	v4 =	vperm.xlane v3, v0;
	_ =	sdelay $0x1  }
0x25d: {  	v4 =	vadd.s32 v1, v4;
	_ =	sdelay $0x3  }
0x25e: {  	v3 =	vperm.xlane v3, v2  }
0x25f: {  	[tilespmem:s20], [sflag:$0x2] =	stream.indirect_vreg.gather [hbm4b:s1+s3], $0x80, v4, vm0, $0xb8;
	[tilespmem:$0x18200] =	vst v63  }
0x260: {  	v3 =	vadd.s32 v1, v3;
	s20 =	simm.s32 $0x6A00  }
0x261: {  	[tilespmem:s20], [sflag:$0x2] =	stream.indirect_vreg.gather [hbm4b:s5+s3], $0x80, v4, vm0, $0xb8;
	[tilespmem:$0x18200] =	vst v63  }
0x262: {  	s20 =	simm.s32 $0x7200  }
0x263: {  	[tilespmem:s20], [sflag:$0x2] =	stream.indirect_vreg.gather [hbm4b:s6+s3], $0x80, v4, vm0, $0xb8;
	[tilespmem:$0x18200] =	vst v63  }
0x264: {  	s20 =	simm.s32 $0x7A00  }
0x265: {  	[tilespmem:s20], [sflag:$0x2] =	stream.indirect_vreg.gather [hbm4b:s1+s3], $0x80, v3, vm0, $0xb8;
	[tilespmem:$0x18200] =	vst v63  }
0x266: {  	s20 =	simm.s32 $0x8200  }
0x267: {  	[tilespmem:s20], [sflag:$0x2] =	stream.indirect_vreg.gather [hbm4b:s5+s3], $0x80, v3, vm0, $0xb8;
	[tilespmem:$0x18200] =	vst v63  }
0x268: {  	s20 =	simm.s32 $0x8A00  }
0x269: {  	[tilespmem:s20], [sflag:$0x2] =	stream.indirect_vreg.gather [hbm4b:s6+s3], $0x80, v3, vm0, $0xb8;
	[tilespmem:$0x18200] =	vst v63  }
0x26a: {  	v3 =	vld [tilespmem:$0x1B0];
	_ =	sdelay $0x4  }
0x26b: {  	v59 =	vshrl.u32 v3, $0x3  }
0x26c: {  	v4 =	vmul.u32 $0x30, v59  }
0x26d: {  	v3 =	vand.u32 $0x7, v3  }
0x26e: {  	v3 =	vor.u32 v3, v4  }
0x26f: {  	v4 =	vperm.xlane v3, v0;
	_ =	sdelay $0x1  }
0x270: {  	v4 =	vadd.s32 v1, v4;
	_ =	sdelay $0x3  }
0x271: {  	s20 =	simm.s32 $0x9200;
	v3 =	vperm.xlane v3, v2  }
0x272: {  	[tilespmem:s20], [sflag:$0x2] =	stream.indirect_vreg.gather [hbm4b:s1+s3], $0x80, v4, vm0, $0xb8;
	[tilespmem:$0x18200] =	vst v63  }
0x273: {  	v3 =	vadd.s32 v1, v3;
	s20 =	simm.s32 $0x9A00  }
0x274: {  	[tilespmem:s20], [sflag:$0x2] =	stream.indirect_vreg.gather [hbm4b:s5+s3], $0x80, v4, vm0, $0xb8;
	[tilespmem:$0x18200] =	vst v63  }
0x275: {  	s20 =	simm.s32 $0xA200  }
0x276: {  	[tilespmem:s20], [sflag:$0x2] =	stream.indirect_vreg.gather [hbm4b:s6+s3], $0x80, v4, vm0, $0xb8;
	[tilespmem:$0x18200] =	vst v63  }
0x277: {  	s19 =	simm.s32 $0xAA00  }
0x278: {  	[tilespmem:s19], [sflag:$0x2] =	stream.indirect_vreg.gather [hbm4b:s1+s3], $0x80, v3, vm0, $0xb8;
	[tilespmem:$0x18200] =	vst v63  }
0x279: {  	s28 =	simm.s32 $0xB200  }
0x27a: {  	[tilespmem:s28], [sflag:$0x2] =	stream.indirect_vreg.gather [hbm4b:s5+s3], $0x80, v3, vm0, $0xb8;
	[tilespmem:$0x18200] =	vst v63  }
0x27b: {  	s24 =	simm.s32 $0xBA00  }
0x27c: {  	[tilespmem:s24], [sflag:$0x2] =	stream.indirect_vreg.gather [hbm4b:s6+s3], $0x80, v3, vm0, $0xb8;
	[tilespmem:$0x18200] =	vst v63  }
0x27d: {  	_ =	swait.ge [sflag:s13], $0x6000  }
0x27e: {  	[sflag:s13] =	ssyncset.done $0x0  }
0x27f: {  	s24 =	simm.s32 $0xC200;
	s20 =	rddreg [dreg:$0xe];
	[sflag:s13] =	ssyncadd.s32 $0xFFFFA000  }
0x280: {  	[hbm4b:s20+s3] =	stream.linear.scatter [tilespmem:s24], [sflag:$0x7], $0x6000, $0x38;
	[tilespmem:$0x18200] =	vst v63  }
0x281: {  	_ =	swait.ge [sflag:s14], $0x6000  }
0x282: {  	[sflag:s14] =	ssyncset.done $0x0  }
0x283: {  	[sflag:s14] =	ssyncadd.s32 $0xFFFFA000  }
0x284: {  	v3 =	vld [tilespmem:$0x1C0];
	_ =	sdelay $0x4  }
0x285: {  	v60 =	vshrl.u32 v3, $0x3  }
0x286: {  	v4 =	vmul.u32 $0x30, v60  }
0x287: {  	v3 =	vand.u32 $0x7, v3  }
0x288: {  	v3 =	vor.u32 v3, v4  }
0x289: {  	v4 =	vperm.xlane v3, v0;
	_ =	sdelay $0x1  }
0x28a: {  	v4 =	vadd.s32 v1, v4;
	_ =	sdelay $0x3  }
0x28b: {  	v3 =	vperm.xlane v3, v2  }
0x28c: {  	[tilespmem:s24], [sflag:$0x3] =	stream.indirect_vreg.gather [hbm4b:s1+s3], $0x80, v4, vm0, $0xb8;
	[tilespmem:$0x18200] =	vst v63  }
0x28d: {  	s25 =	simm.s32 $0xCA00;
	v3 =	vadd.s32 v1, v3  }
0x28e: {  	[tilespmem:s25], [sflag:$0x3] =	stream.indirect_vreg.gather [hbm4b:s5+s3], $0x80, v4, vm0, $0xb8;
	[tilespmem:$0x18200] =	vst v63  }
0x28f: {  	s26 =	simm.s32 $0xD200  }
0x290: {  	[tilespmem:s26], [sflag:$0x3] =	stream.indirect_vreg.gather [hbm4b:s6+s3], $0x80, v4, vm0, $0xb8;
	[tilespmem:$0x18200] =	vst v63  }
0x291: {  	s29 =	simm.s32 $0xDA00  }
0x292: {  	[tilespmem:s29], [sflag:$0x3] =	stream.indirect_vreg.gather [hbm4b:s1+s3], $0x80, v3, vm0, $0xb8;
	[tilespmem:$0x18200] =	vst v63  }
0x293: {  	s25 =	simm.s32 $0xE200  }
0x294: {  	[tilespmem:s25], [sflag:$0x3] =	stream.indirect_vreg.gather [hbm4b:s5+s3], $0x80, v3, vm0, $0xb8;
	[tilespmem:$0x18200] =	vst v63  }
0x295: {  	s26 =	simm.s32 $0xEA00  }
0x296: {  	[tilespmem:s26], [sflag:$0x3] =	stream.indirect_vreg.gather [hbm4b:s6+s3], $0x80, v3, vm0, $0xb8;
	[tilespmem:$0x18200] =	vst v63  }
0x297: {  	v3 =	vld [tilespmem:$0x1D0];
	_ =	sdelay $0x4  }
0x298: {  	v61 =	vshrl.u32 v3, $0x3  }
0x299: {  	v4 =	vmul.u32 $0x30, v61  }
0x29a: {  	v3 =	vand.u32 $0x7, v3  }
0x29b: {  	v3 =	vor.u32 v3, v4  }
0x29c: {  	v4 =	vperm.xlane v3, v0;
	_ =	sdelay $0x1  }
0x29d: {  	v4 =	vadd.s32 v1, v4;
	_ =	sdelay $0x3  }
0x29e: {  	s28 =	simm.s32 $0xF200;
	v3 =	vperm.xlane v3, v2  }
0x29f: {  	[tilespmem:s28], [sflag:$0x3] =	stream.indirect_vreg.gather [hbm4b:s1+s3], $0x80, v4, vm0, $0xb8;
	[tilespmem:$0x18200] =	vst v63  }
0x2a0: {  	s21 =	simm.s32 $0xFA00;
	v3 =	vadd.s32 v1, v3  }
0x2a1: {  	[tilespmem:s21], [sflag:$0x3] =	stream.indirect_vreg.gather [hbm4b:s5+s3], $0x80, v4, vm0, $0xb8;
	[tilespmem:$0x18200] =	vst v63  }
0x2a2: {  	s9 =	simm.s32 $0x10200  }
0x2a3: {  	[tilespmem:s9], [sflag:$0x3] =	stream.indirect_vreg.gather [hbm4b:s6+s3], $0x80, v4, vm0, $0xb8;
	[tilespmem:$0x18200] =	vst v63  }
0x2a4: {  	s22 =	simm.s32 $0x10A00  }
0x2a5: {  	[tilespmem:s22], [sflag:$0x3] =	stream.indirect_vreg.gather [hbm4b:s1+s3], $0x80, v3, vm0, $0xb8;
	[tilespmem:$0x18200] =	vst v63  }
0x2a6: {  	s23 =	simm.s32 $0x11200  }
0x2a7: {  	[tilespmem:s23], [sflag:$0x3] =	stream.indirect_vreg.gather [hbm4b:s5+s3], $0x80, v3, vm0, $0xb8;
	[tilespmem:$0x18200] =	vst v63  }
0x2a8: {  	s29 =	simm.s32 $0x11A00  }
0x2a9: {  	[tilespmem:s29], [sflag:$0x3] =	stream.indirect_vreg.gather [hbm4b:s6+s3], $0x80, v3, vm0, $0xb8;
	[tilespmem:$0x18200] =	vst v63  }
0x2aa: {  	_ =	swait.ge [sflag:s15], $0x6000  }
0x2ab: {  	[sflag:s15] =	ssyncset.done $0x0  }
0x2ac: {  	s9 =	rddreg [dreg:$0xf];
	[sflag:s15] =	ssyncadd.s32 $0xFFFFA000  }
0x2ad: {  	[hbm4b:s9+s3] =	stream.linear.scatter [tilespmem:s0], [sflag:$0x8], $0x6000, $0x38;
	[tilespmem:$0x18200] =	vst v63  }
0x2ae: {  	_ =	swait.ge [sflag:s16], $0x6000  }
0x2af: {  	[sflag:s16] =	ssyncset.done $0x0  }
0x2b0: {  	[sflag:s16] =	ssyncadd.s32 $0xFFFFA000  }
0x2b1: {  	v3 =	vld [tilespmem:$0x1E0];
	_ =	sdelay $0x4  }
0x2b2: {  	v62 =	vshrl.u32 v3, $0x3  }
0x2b3: {  	v4 =	vmul.u32 $0x30, v62  }
0x2b4: {  	v3 =	vand.u32 $0x7, v3  }
0x2b5: {  	v3 =	vor.u32 v3, v4  }
0x2b6: {  	v4 =	vperm.xlane v3, v0;
	_ =	sdelay $0x1  }
0x2b7: {  	v4 =	vadd.s32 v1, v4;
	_ =	sdelay $0x3  }
0x2b8: {  	v3 =	vperm.xlane v3, v2  }
0x2b9: {  	[tilespmem:s0], [sflag:$0x4] =	stream.indirect_vreg.gather [hbm4b:s1+s3], $0x80, v4, vm0, $0xb8;
	[tilespmem:$0x18200] =	vst v63  }
0x2ba: {  	v3 =	vadd.s32 v1, v3  }
0x2bb: {  	[tilespmem:s30], [sflag:$0x4] =	stream.indirect_vreg.gather [hbm4b:s5+s3], $0x80, v4, vm0, $0xb8;
	[tilespmem:$0x18200] =	vst v63  }
0x2bc: {  	_ = 	snop  }
0x2bd: {  	[tilespmem:s31], [sflag:$0x4] =	stream.indirect_vreg.gather [hbm4b:s6+s3], $0x80, v4, vm0, $0xb8;
	[tilespmem:$0x18200] =	vst v63  }
0x2be: {  	_ = 	snop  }
0x2bf: {  	[tilespmem:s2], [sflag:$0x4] =	stream.indirect_vreg.gather [hbm4b:s1+s3], $0x80, v3, vm0, $0xb8;
	[tilespmem:$0x18200] =	vst v63  }
0x2c0: {  	s17 =	simm.s32 $0x14200  }
0x2c1: {  	[tilespmem:s17], [sflag:$0x4] =	stream.indirect_vreg.gather [hbm4b:s5+s3], $0x80, v3, vm0, $0xb8;
	[tilespmem:$0x18200] =	vst v63  }
0x2c2: {  	s20 =	simm.s32 $0x14A00  }
0x2c3: {  	[tilespmem:s20], [sflag:$0x4] =	stream.indirect_vreg.gather [hbm4b:s6+s3], $0x80, v3, vm0, $0xb8;
	[tilespmem:$0x18200] =	vst v63  }
0x2c4: {  	v3 =	vld [tilespmem:$0x1F0];
	_ =	sdelay $0x4  }
0x2c5: {  	v63 =	vshrl.u32 v3, $0x3  }
0x2c6: {  	v4 =	vmul.u32 $0x30, v63  }
0x2c7: {  	v3 =	vand.u32 $0x7, v3  }
0x2c8: {  	v3 =	vor.u32 v3, v4  }
0x2c9: {  	v4 =	vperm.xlane v3, v0;
	_ =	sdelay $0x1  }
0x2ca: {  	v4 =	vadd.s32 v1, v4;
	_ =	sdelay $0x3  }
0x2cb: {  	s21 =	simm.s32 $0x15200;
	v3 =	vperm.xlane v3, v2  }
0x2cc: {  	[tilespmem:s21], [sflag:$0x4] =	stream.indirect_vreg.gather [hbm4b:s1+s3], $0x80, v4, vm0, $0xb8;
	[tilespmem:$0x18200] =	vst v63  }
0x2cd: {  	s22 =	simm.s32 $0x15A00;
	v3 =	vadd.s32 v1, v3  }
0x2ce: {  	[tilespmem:s22], [sflag:$0x4] =	stream.indirect_vreg.gather [hbm4b:s5+s3], $0x80, v4, vm0, $0xb8;
	[tilespmem:$0x18200] =	vst v63  }
0x2cf: {  	s23 =	simm.s32 $0x16200  }
0x2d0: {  	[tilespmem:s23], [sflag:$0x4] =	stream.indirect_vreg.gather [hbm4b:s6+s3], $0x80, v4, vm0, $0xb8;
	[tilespmem:$0x18200] =	vst v63  }
0x2d1: {  	s24 =	simm.s32 $0x16A00  }
0x2d2: {  	[tilespmem:s24], [sflag:$0x4] =	stream.indirect_vreg.gather [hbm4b:s1+s3], $0x80, v3, vm0, $0xb8;
	[tilespmem:$0x18200] =	vst v63  }
0x2d3: {  	s25 =	simm.s32 $0x17200  }
0x2d4: {  	[tilespmem:s25], [sflag:$0x4] =	stream.indirect_vreg.gather [hbm4b:s5+s3], $0x80, v3, vm0, $0xb8;
	[tilespmem:$0x18200] =	vst v63  }
0x2d5: {  	s26 =	simm.s32 $0x17A00  }
0x2d6: {  	[tilespmem:s26], [sflag:$0x4] =	stream.indirect_vreg.gather [hbm4b:s6+s3], $0x80, v3, vm0, $0xb8;
	[tilespmem:$0x18200] =	vst v63  }
0x2d7: {  	_ =	swait.ge [sflag:s8], $0x6000  }
0x2d8: {  	[sflag:s8] =	ssyncset.done $0x0  }
0x2d9: {  	s18 =	simm.s32 $0x200;
	s28 =	rddreg [dreg:$0x10];
	[sflag:s8] =	ssyncadd.s32 $0xFFFFA000  }
0x2da: {  	[hbm4b:s28+s3] =	stream.linear.scatter [tilespmem:s18], [sflag:$0x5], $0x6000, $0x38;
	[tilespmem:$0x18200] =	vst v63  }
0x2db: {  	_ =	swait.ge [sflag:s11], $0x6000  }
0x2dc: {  	[sflag:s11] =	ssyncset.done $0x0  }
0x2dd: {  	s4 =	simm.s32 $0x6200;
	s29 =	rddreg [dreg:$0x11];
	[sflag:s11] =	ssyncadd.s32 $0xFFFFA000  }
0x2de: {  	[hbm4b:s29+s3] =	stream.linear.scatter [tilespmem:s4], [sflag:$0x6], $0x6000, $0x38;
	[tilespmem:$0x18200] =	vst v63  }
0x2df: {  	_ =	swait.ge [sflag:s13], $0x6000  }
0x2e0: {  	[sflag:s13] =	ssyncset.done $0x0  }
0x2e1: {  	s19 =	simm.s32 $0xC200;
	s30 =	rddreg [dreg:$0x12];
	[sflag:s13] =	ssyncadd.s32 $0xFFFFA000  }
0x2e2: {  	[hbm4b:s30+s3] =	stream.linear.scatter [tilespmem:s19], [sflag:$0x7], $0x6000, $0x38;
	[tilespmem:$0x18200] =	vst v63  }
0x2e3: {  	_ =	swait.ge [sflag:s15], $0x6000  }
0x2e4: {  	[sflag:s15] =	ssyncset.done $0x0  }
0x2e5: {  	s31 =	rddreg [dreg:$0x13];
	[sflag:s15] =	ssyncadd.s32 $0xFFFFA000  }
0x2e6: {  	[hbm4b:s31+s3] =	stream.linear.scatter [tilespmem:s0], [sflag:$0x8], $0x6000, $0x38;
	[tilespmem:$0x18200] =	vst v63  }
0x2e7: {  	_ =	swait.ge [sflag:s10], $0x6000  }
0x2e8: {  	[sflag:s10] =	ssyncset.done $0x0  }
0x2e9: {  	[sflag:s10] =	ssyncadd.s32 $0xFFFFA000  }
0x2ea: {  	_ =	swait.ge [sflag:s12], $0x6000  }
0x2eb: {  	[sflag:s12] =	ssyncset.done $0x0  }
0x2ec: {  	[sflag:s12] =	ssyncadd.s32 $0xFFFFA000  }
0x2ed: {  	p0 =	sne.s32 s7, $0x1;
	_ =	swait.ge [sflag:s14], $0x6000  }
.Ltmp0:
0x2ee: {  	[sflag:s14] =	ssyncset.done $0x0;
	(pc) =	sbr.rel @p0 .LBB2_1-.Ltmp0, $4  }
0x2ef: {  	[sflag:s14] =	ssyncadd.s32 $0xFFFFA000  }
0x2f0: {  	_ =	swait.ge [sflag:s16], $0x6000  }
0x2f1: {  	[sflag:s16] =	ssyncset.done $0x0  }
0x2f2: {  	s7 =	sadd.s32 $0xFFFFFFFF, s7;
	[sflag:s16] =	ssyncadd.s32 $0xFFFFA000  }
0x2f3: {  	_ =	sfence.sel $0x180000  }
0x2f4: {  	[bflag:$0x0] =	sbarrier.arrive $0xFFFF  }
0x2f5: {  	_ =	strace $0x90000047  }
0x2f6: {  	s0 =	stileid.u32;
	[bflag:$0x2] =	sbarrier.arrive $0xFFFF  }
0x2f7: {  	p0 =	sne.s32 s0, $0x0;
	s0 =	rddreg [dreg:$0x3]  }
0x2f8: {  	s0 =	sadd.s32 @!p0 $0x100000, s0  }
0x2f9: {  	[sflag:s0] =	ssyncadd.tile.s32 @!p0 $0x1;
	_ =	shalt  }
.Lfunc_end2:
_tile_overlayer_lowered:
.L_overlay_start_2:
0x2fa: {  	(tag) =	ssettag $0x2  }
0x2fb: {  	s0 =	rddreg [dreg:$0x0];
	s2 =	stileid.u32  }
0x2fc: {  	s1 =	rddreg [dreg:$0x1];
	p0 =	sne.s32 s2, $0x0  }
0x2fd: {  	s3 =	rddreg [dreg:$0x2];
	[bflag:$0x3] =	sbarrier.arrive $0xFFFF;
	s2 =	simm.s32 @!p0 $0x1C09  }
0x2fe: {  	[timem:s3], [sflag:s2] =	dma.local @!p0 [hbm:s0], s1  }
0x2ff: {  	s0 =	simm.s32 @!p0 $0x9  }
0x300: {  	_ =	swait.ge @!p0 [sflag:s0], s1  }
0x301: {  	s1 =	ssub.s32 @!p0 $0x0, s1;
	[sflag:s0] =	ssyncset.done @!p0 $0x0  }
0x302: {  	[sflag:s0] =	ssyncadd.s32 @!p0 s1  }
0x303: {  	[bflag:$0x3] =	sbarrier.arrive $0xFFFF  }
0x304: {  	_ =	shalt  }

</sc_bundles>
